<compile_context>
chip_gen: v7x
topology: tpu7x:2x2x1
jax: 0.10.2.dev20260603
libtpu: 0.0.44.dev20260713+nightly
codegen_flags: <defaults>
</compile_context>

<pallas_src>
import functools

import jax
import jax.numpy as jnp
from jax import lax
from jax.experimental import pallas as pl
from jax.experimental.pallas import tpu as pltpu
from jax.experimental.pallas import tpu_sc as plsc

N_NODES = 10000
N_EDGES = 320000
DIM = 128
RW = 144

NUM_CORES = 2
NUM_SUBCORES = 16
NUM_TILES = NUM_CORES * NUM_SUBCORES
EDGES_PER_TILE = N_EDGES // NUM_TILES
CHUNK = 64
NFULL = EDGES_PER_TILE // CHUNK
TAIL = EDGES_PER_TILE - NFULL * CHUNK
ROWS_PER_SUB = N_NODES // NUM_SUBCORES


def _xform_body(x_ref, w_ref, as_ref, ad_ref, h_ref, asrc_ref, adst_ref):
    h = jnp.dot(x_ref[...], w_ref[...], preferred_element_type=jnp.float32)
    h_ref[...] = h
    asrc_ref[...] = jnp.sum(h * as_ref[...][None, :], axis=1)
    adst_ref[...] = jnp.sum(h * ad_ref[...][None, :], axis=1)


def _combine_body(p_ref, b_ref, pw_ref, o_ref):
    p = p_ref[0] + p_ref[1]
    msg = p[:, :DIM]
    den = p[:, DIM:DIM + 1]
    o = msg / (den + 1e-16) + b_ref[...][None, :]
    o_ref[...] = jnp.maximum(o, 0.0) + pw_ref[...][None, :] * jnp.minimum(o, 0.0)


def _sc_edge_kernel(src, dst, h, asrc, adst):
    mesh = plsc.VectorSubcoreMesh(core_axis_name="c", subcore_axis_name="s")

    @functools.partial(
        pl.kernel,
        out_type=jax.ShapeDtypeStruct((NUM_CORES, N_NODES, RW), jnp.float32),
        mesh=mesh,
        compiler_params=pltpu.CompilerParams(
            use_tc_tiling_on_sc=False, needs_layout_passes=False),
        scratch_types=[
            pltpu.VMEM((N_NODES,), jnp.float32),
            pltpu.VMEM((N_NODES,), jnp.float32),
            pltpu.VMEM((CHUNK,), jnp.int32),
            pltpu.VMEM((CHUNK,), jnp.int32),
            pltpu.VMEM((TAIL,), jnp.int32),
            pltpu.VMEM((TAIL,), jnp.int32),
            pltpu.VMEM((CHUNK,), jnp.float32),
            pltpu.VMEM((CHUNK, DIM), jnp.float32),
            pltpu.VMEM((CHUNK, RW), jnp.float32),
            pltpu.VMEM_SHARED((N_NODES, RW), jnp.float32),
            pltpu.SemaphoreType.DMA,
        ],
    )
    def body(src_hbm, dst_hbm, h_hbm, asrc_hbm, adst_hbm, out_hbm,
             asrc_v, adst_v, src_v, dst_v, src_t, dst_t, w_v, rows_v,
             stage_v, acc, gsem):
        c = lax.axis_index("c")
        s = lax.axis_index("s")
        wid = s * NUM_CORES + c
        ebase = wid * EDGES_PER_TILE

        pltpu.sync_copy(asrc_hbm, asrc_v)
        pltpu.sync_copy(adst_hbm, adst_v)

        zero16 = jnp.zeros((16,), jnp.float32)

        @pl.loop(0, CHUNK)
        def _(r):
            for t in range(RW // 16):
                stage_v[r, pl.ds(t * 16, 16)] = zero16

        @pl.loop(0, 9)
        def _(i):
            pltpu.sync_copy(stage_v.at[pl.ds(0, CHUNK)],
                            acc.at[pl.ds(s * ROWS_PER_SUB + i * CHUNK, CHUNK)])
        pltpu.sync_copy(stage_v.at[pl.ds(0, ROWS_PER_SUB - 9 * CHUNK)],
                        acc.at[pl.ds(s * ROWS_PER_SUB + 9 * CHUNK,
                                     ROWS_PER_SUB - 9 * CHUNK)])

        plsc.subcore_barrier()

        iot = lax.iota(jnp.int32, 16)

        def process(base, k, sv, dv):
            pltpu.sync_copy(src_hbm.at[pl.ds(base, k)], sv)
            pltpu.sync_copy(dst_hbm.at[pl.ds(base, k)], dv)
            gcopy = pltpu.async_copy(h_hbm.at[sv], rows_v.at[pl.ds(0, k)], gsem)

            @pl.loop(0, k // 16)
            def _(j):
                si = sv[pl.ds(j * 16, 16)]
                di = dv[pl.ds(j * 16, 16)]
                e = (plsc.load_gather(asrc_v, [si])
                     + plsc.load_gather(adst_v, [di]))
                e = jnp.where(e > 0, e, e * jnp.float32(0.2))
                w_v[pl.ds(j * 16, 16)] = jnp.exp(e)

            gcopy.wait()

            @pl.loop(0, k)
            def _(r):
                wv = plsc.load_gather(w_v, [jnp.full((16,), r, jnp.int32)])
                for t in range(DIM // 16):
                    stage_v[r, pl.ds(t * 16, 16)] = (
                        rows_v[r, pl.ds(t * 16, 16)] * wv)
                stage_v[r, pl.ds(DIM, 16)] = jnp.where(
                    iot == 0, wv, jnp.float32(0.0))

            pltpu.sync_copy(stage_v.at[pl.ds(0, k)], acc.at[dv], add=True)

        @pl.loop(0, NFULL)
        def _(i):
            process(ebase + i * CHUNK, CHUNK, src_v, dst_v)

        process(ebase + NFULL * CHUNK, TAIL, src_t, dst_t)

        plsc.subcore_barrier()
        pltpu.sync_copy(acc.at[pl.ds(s * ROWS_PER_SUB, ROWS_PER_SUB)],
                        out_hbm.at[c, pl.ds(s * ROWS_PER_SUB, ROWS_PER_SUB)])

    return body(src, dst, h, asrc, adst)


def kernel(x, edge_index, W, att_src, att_dst, bias, prelu_w):
    src = edge_index[0].astype(jnp.int32)
    dst = edge_index[1].astype(jnp.int32)
    as_vec = att_src.reshape(DIM)
    ad_vec = att_dst.reshape(DIM)

    h, asrc, adst = pl.pallas_call(
        _xform_body,
        out_shape=(
            jax.ShapeDtypeStruct((N_NODES, DIM), jnp.float32),
            jax.ShapeDtypeStruct((N_NODES,), jnp.float32),
            jax.ShapeDtypeStruct((N_NODES,), jnp.float32),
        ),
    )(x, W, as_vec, ad_vec)

    parts = _sc_edge_kernel(src, dst, h, asrc, adst)

    out = pl.pallas_call(
        _combine_body,
        out_shape=jax.ShapeDtypeStruct((N_NODES, DIM), jnp.float32),
    )(parts, bias, prelu_w)
    return out

# --- scband reference (transcript-rebuilt; emitter-appended) ---
"""Pipeline reference for scband-gatencoder-50955492000114 (READ-ONLY COPY).

The authoritative reference and input builder live on the scoring server;
editing this copy changes nothing except your own understanding.
"""

import jax, jax.numpy as jnp
import numpy as np

N_NODES = 10000
N_EDGES = 320000
IN_DIM = 128
HIDDEN = 128
HEADS = 1


def setup_inputs(seed: int = 0) -> dict:
    key = jax.random.key(seed)
    k1, k2, k3, k4, k5, k6 = jax.random.split(key, 6)
    x = jax.random.normal(k1, (N_NODES, IN_DIM), dtype=jnp.float32)
    edge_index = jax.random.randint(k2, (2, N_EDGES), 0, N_NODES, dtype=jnp.int64)
    # GATConv parameters (glorot-style init)
    scale_w = 1.0 / np.sqrt(IN_DIM)
    W = jax.random.normal(k3, (IN_DIM, HEADS * HIDDEN), dtype=jnp.float32) * scale_w
    att_src = jax.random.normal(k4, (1, HEADS, HIDDEN), dtype=jnp.float32) * (1.0 / np.sqrt(HIDDEN))
    att_dst = jax.random.normal(k5, (1, HEADS, HIDDEN), dtype=jnp.float32) * (1.0 / np.sqrt(HIDDEN))
    bias = jnp.zeros((HEADS * HIDDEN,), dtype=jnp.float32)
    # PReLU per-channel weight (torch default init 0.25)
    prelu_w = jnp.full((HEADS * HIDDEN,), 0.25, dtype=jnp.float32)
    return {"x": x, "edge_index": edge_index, "W": W, "att_src": att_src,
            "att_dst": att_dst, "bias": bias, "prelu_w": prelu_w}


def reference(x, edge_index, W, att_src, att_dst, bias, prelu_w):
    N = x.shape[0]
    H, C = HEADS, HIDDEN
    src = edge_index[0]
    dst = edge_index[1]
    # Linear transform
    h = (x @ W).reshape(N, H, C)  # [N, H, C]
    # Per-node attention terms
    a_src = jnp.sum(h * att_src, axis=-1)  # [N, H]
    a_dst = jnp.sum(h * att_dst, axis=-1)  # [N, H]
    # Edge-level attention logits (gather)
    e = a_src[src] + a_dst[dst]  # [E, H]
    e = jnp.where(e > 0, e, 0.2 * e)  # leaky_relu(negative_slope=0.2)
    # Segment softmax over incoming edges of each dst node
    e_max = jax.ops.segment_max(e, dst, num_segments=N)  # [N, H]
    e_max = jnp.where(jnp.isfinite(e_max), e_max, 0.0)
    e_max = jax.lax.stop_gradient(e_max)
    e_exp = jnp.exp(e - e_max[dst])  # [E, H]
    denom = jax.ops.segment_sum(e_exp, dst, num_segments=N)  # [N, H]
    alpha = e_exp / (denom[dst] + 1e-16)  # [E, H]
    # Dropout(p=0.2) on alpha is disabled (eval mode)
    # Weighted message aggregation (scatter-add)
    msg = h[src] * alpha[..., None]  # [E, H, C]
    out = jax.ops.segment_sum(msg, dst, num_segments=N)  # [N, H, C]
    out = out.reshape(N, H * C) + bias
    # PReLU with per-channel weight
    out = jnp.maximum(out, 0.0) + prelu_w * jnp.minimum(out, 0.0)
    return out

if __name__ == "__main__":
    import jax
    _d = setup_inputs()
    print(jax.jit(kernel)(*tuple(_d.values())))

</pallas_src>

<mosaic_0001>
#map = affine_map<(d0, d1) -> (0)>
#map1 = affine_map<(d0, d1) -> (0, 0)>
#map2 = affine_map<(d0, d1) -> (0, 0, 0)>
module attributes {stable_mosaic.version = 14 : i64} {
  func.func @body(%arg0: i32, %arg1: i32, %arg2: memref<320000xi32, #tpu.memory_space<hbm>>, %arg3: memref<320000xi32, #tpu.memory_space<hbm>>, %arg4: memref<10000x128xf32, #tpu.memory_space<hbm>>, %arg5: memref<10000xf32, #tpu.memory_space<hbm>>, %arg6: memref<10000xf32, #tpu.memory_space<hbm>>, %arg7: memref<2x10000x144xf32, #tpu.memory_space<hbm>>, %arg8: memref<10000xf32, #tpu.memory_space<vmem>>, %arg9: memref<10000xf32, #tpu.memory_space<vmem>>, %arg10: memref<64xi32, #tpu.memory_space<vmem>>, %arg11: memref<64xi32, #tpu.memory_space<vmem>>, %arg12: memref<16xi32, #tpu.memory_space<vmem>>, %arg13: memref<16xi32, #tpu.memory_space<vmem>>, %arg14: memref<64xf32, #tpu.memory_space<vmem>>, %arg15: memref<64x128xf32, #tpu.memory_space<vmem>>, %arg16: memref<64x144xf32, #tpu.memory_space<vmem>>, %arg17: memref<10000x144xf32, #tpu.memory_space<vmem_shared>>, %arg18: memref<!tpu.dma_semaphore, #tpu.memory_space<semaphore_mem>>) attributes {dimension_semantics = [#tpu.dimension_semantics<core_parallel>, #tpu.dimension_semantics<subcore_parallel>], iteration_bounds = array<i64: 2, 16>, scalar_prefetch = 0 : i64, scratch_operands = 11 : i64, tpu.core_type = #tpu.core_type<sc_vector_subcore>, window_params = [{transform_indices = #map}, {transform_indices = #map}, {transform_indices = #map1}, {transform_indices = #map}, {transform_indices = #map}, {transform_indices = #map2}]} {
    %mul3A = arith.constant 2 : i32
    %mul3A_0 = arith.muli %arg1, %mul3A : i32
    %add3A = arith.addi %mul3A_0, %arg0 : i32
    %mul3A_1 = arith.constant 10000 : i32
    %mul3A_2 = arith.muli %add3A, %mul3A_1 : i32
    "tpu.region"() ({
      %run_scoped3A = tpu.sem_alloc : memref<!tpu.dma_semaphore, #tpu.memory_space<semaphore_mem>>
      tpu.enqueue_dma source(%arg5 : memref<10000xf32, #tpu.memory_space<hbm>>) target(%arg8 : memref<10000xf32, #tpu.memory_space<vmem>>) target_semaphore(%run_scoped3A : memref<!tpu.dma_semaphore, #tpu.memory_space<semaphore_mem>>)
      tpu.wait_dma2 semaphore(%run_scoped3A : memref<!tpu.dma_semaphore, #tpu.memory_space<semaphore_mem>>) src(%arg5 : memref<10000xf32, #tpu.memory_space<hbm>>) dst(%arg8 : memref<10000xf32, #tpu.memory_space<vmem>>)
      tpu.yield
    }) : () -> ()
    "tpu.region"() ({
      %run_scoped3A = tpu.sem_alloc : memref<!tpu.dma_semaphore, #tpu.memory_space<semaphore_mem>>
      tpu.enqueue_dma source(%arg6 : memref<10000xf32, #tpu.memory_space<hbm>>) target(%arg9 : memref<10000xf32, #tpu.memory_space<vmem>>) target_semaphore(%run_scoped3A : memref<!tpu.dma_semaphore, #tpu.memory_space<semaphore_mem>>)
      tpu.wait_dma2 semaphore(%run_scoped3A : memref<!tpu.dma_semaphore, #tpu.memory_space<semaphore_mem>>) src(%arg6 : memref<10000xf32, #tpu.memory_space<hbm>>) dst(%arg9 : memref<10000xf32, #tpu.memory_space<vmem>>)
      tpu.yield
    }) : () -> ()
    %broadcast_in_dim3A = arith.constant 0.000000e+00 : f32
    %broadcast_in_dim3A_3 = vector.broadcast %broadcast_in_dim3A : f32 to vector<16xf32>
    %scan3A = arith.constant 0 : i32
    %scan3A_4 = arith.constant 64 : i32
    %scan3A_5 = arith.addi %scan3A, %scan3A_4 : i32
    %scan3A_6 = arith.constant 1 : i32
    scf.for %scan3A_67 = %scan3A to %scan3A_5 step %scan3A_6  : i32 {
      %mul3A_68 = arith.constant 1 : i32
      %mul3A_69 = arith.muli %scan3A_67, %mul3A_68 : i32
      %add3A_70 = arith.constant 0 : i32
      %add3A_71 = arith.addi %add3A_70, %mul3A_69 : i32
      %swap3A_72 = arith.index_cast %add3A_71 : i32 to index
      %swap3A_73 = arith.constant 0 : index
      %swap3A_74 = tpu.vector_load %arg16[%swap3A_72, %swap3A_73] {strides = array<i32>} : memref<64x144xf32, #tpu.memory_space<vmem>>, vector<16xf32>,
      tpu.vector_store %arg16[%swap3A_72, %swap3A_73], %broadcast_in_dim3A_3 {strides = array<i32>} : memref<64x144xf32, #tpu.memory_space<vmem>>, vector<16xf32>,
      %swap3A_75 = arith.index_cast %add3A_71 : i32 to index
      %swap3A_76 = arith.constant 16 : index
      %swap3A_77 = tpu.vector_load %arg16[%swap3A_75, %swap3A_76] {strides = array<i32>} : memref<64x144xf32, #tpu.memory_space<vmem>>, vector<16xf32>,
      tpu.vector_store %arg16[%swap3A_75, %swap3A_76], %broadcast_in_dim3A_3 {strides = array<i32>} : memref<64x144xf32, #tpu.memory_space<vmem>>, vector<16xf32>,
      %swap3A_78 = arith.index_cast %add3A_71 : i32 to index
      %swap3A_79 = arith.constant 32 : index
      %swap3A_80 = tpu.vector_load %arg16[%swap3A_78, %swap3A_79] {strides = array<i32>} : memref<64x144xf32, #tpu.memory_space<vmem>>, vector<16xf32>,
      tpu.vector_store %arg16[%swap3A_78, %swap3A_79], %broadcast_in_dim3A_3 {strides = array<i32>} : memref<64x144xf32, #tpu.memory_space<vmem>>, vector<16xf32>,
      %swap3A_81 = arith.index_cast %add3A_71 : i32 to index
      %swap3A_82 = arith.constant 48 : index
      %swap3A_83 = tpu.vector_load %arg16[%swap3A_81, %swap3A_82] {strides = array<i32>} : memref<64x144xf32, #tpu.memory_space<vmem>>, vector<16xf32>,
      tpu.vector_store %arg16[%swap3A_81, %swap3A_82], %broadcast_in_dim3A_3 {strides = array<i32>} : memref<64x144xf32, #tpu.memory_space<vmem>>, vector<16xf32>,
      %swap3A_84 = arith.index_cast %add3A_71 : i32 to index
      %swap3A_85 = arith.constant 64 : index
      %swap3A_86 = tpu.vector_load %arg16[%swap3A_84, %swap3A_85] {strides = array<i32>} : memref<64x144xf32, #tpu.memory_space<vmem>>, vector<16xf32>,
      tpu.vector_store %arg16[%swap3A_84, %swap3A_85], %broadcast_in_dim3A_3 {strides = array<i32>} : memref<64x144xf32, #tpu.memory_space<vmem>>, vector<16xf32>,
      %swap3A_87 = arith.index_cast %add3A_71 : i32 to index
      %swap3A_88 = arith.constant 80 : index
      %swap3A_89 = tpu.vector_load %arg16[%swap3A_87, %swap3A_88] {strides = array<i32>} : memref<64x144xf32, #tpu.memory_space<vmem>>, vector<16xf32>,
      tpu.vector_store %arg16[%swap3A_87, %swap3A_88], %broadcast_in_dim3A_3 {strides = array<i32>} : memref<64x144xf32, #tpu.memory_space<vmem>>, vector<16xf32>,
      %swap3A_90 = arith.index_cast %add3A_71 : i32 to index
      %swap3A_91 = arith.constant 96 : index
      %swap3A_92 = tpu.vector_load %arg16[%swap3A_90, %swap3A_91] {strides = array<i32>} : memref<64x144xf32, #tpu.memory_space<vmem>>, vector<16xf32>,
      tpu.vector_store %arg16[%swap3A_90, %swap3A_91], %broadcast_in_dim3A_3 {strides = array<i32>} : memref<64x144xf32, #tpu.memory_space<vmem>>, vector<16xf32>,
      %swap3A_93 = arith.index_cast %add3A_71 : i32 to index
      %swap3A_94 = arith.constant 112 : index
      %swap3A_95 = tpu.vector_load %arg16[%swap3A_93, %swap3A_94] {strides = array<i32>} : memref<64x144xf32, #tpu.memory_space<vmem>>, vector<16xf32>,
      tpu.vector_store %arg16[%swap3A_93, %swap3A_94], %broadcast_in_dim3A_3 {strides = array<i32>} : memref<64x144xf32, #tpu.memory_space<vmem>>, vector<16xf32>,
      %swap3A_96 = arith.index_cast %add3A_71 : i32 to index
      %swap3A_97 = arith.constant 128 : index
      %swap3A_98 = tpu.vector_load %arg16[%swap3A_96, %swap3A_97] {strides = array<i32>} : memref<64x144xf32, #tpu.memory_space<vmem>>, vector<16xf32>,
      tpu.vector_store %arg16[%swap3A_96, %swap3A_97], %broadcast_in_dim3A_3 {strides = array<i32>} : memref<64x144xf32, #tpu.memory_space<vmem>>, vector<16xf32>,
    }
    %scan3A_7 = arith.constant 64 : i32
    %scan3A_8 = arith.constant 0 : i32
    %scan3A_9 = arith.constant 9 : i32
    %scan3A_10 = arith.addi %scan3A_8, %scan3A_9 : i32
    %scan3A_11 = arith.constant 1 : i32
    scf.for %scan3A_67 = %scan3A_8 to %scan3A_10 step %scan3A_11  : i32 {
      %mul3A_68 = arith.constant 1 : i32
      %mul3A_69 = arith.muli %scan3A_67, %mul3A_68 : i32
      %add3A_70 = arith.constant 0 : i32
      %add3A_71 = arith.addi %add3A_70, %mul3A_69 : i32
      %mul3A_72 = arith.constant 625 : i32
      %mul3A_73 = arith.muli %arg1, %mul3A_72 : i32
      %mul3A_74 = arith.constant 64 : i32
      %mul3A_75 = arith.muli %add3A_71, %mul3A_74 : i32
      %add3A_76 = arith.addi %mul3A_73, %mul3A_75 : i32
      "tpu.region"() ({
        %run_scoped3A = tpu.sem_alloc : memref<!tpu.dma_semaphore, #tpu.memory_space<semaphore_mem>>
        %dma_start3A_77 = arith.constant 0 : i32
        %dma_start3A_78 = arith.constant 0 : i32
        %dma_start3A_79 = tpu.memref_slice %arg16[%dma_start3A_77, %dma_start3A_78] : memref<64x144xf32, #tpu.memory_space<vmem>> -> memref<64x144xf32, #tpu.memory_space<vmem>>
        %dma_start3A_80 = arith.constant 0 : i32
        %dma_start3A_81 = tpu.memref_slice %arg17[%add3A_76, %dma_start3A_80] : memref<10000x144xf32, #tpu.memory_space<vmem_shared>> -> memref<64x144xf32, #tpu.memory_space<vmem_shared>>
        %dma_start3A_82 = arith.constant 0 : i32
        %dma_start3A_83 = tpu.memref_slice %arg17[%add3A_76, %dma_start3A_82] : memref<10000x144xf32, #tpu.memory_space<vmem_shared>> -> memref<64x144xf32, #tpu.memory_space<vmem_shared>>
        %dma_start3A_84 = arith.constant 0 : i32
        %dma_start3A_85 = arith.constant 0 : i32
        %dma_start3A_86 = tpu.memref_slice %arg16[%dma_start3A_84, %dma_start3A_85] : memref<64x144xf32, #tpu.memory_space<vmem>> -> memref<64x144xf32, #tpu.memory_space<vmem>>
        tpu.enqueue_dma source(%dma_start3A_86 : memref<64x144xf32, #tpu.memory_space<vmem>>) target(%dma_start3A_83 : memref<64x144xf32, #tpu.memory_space<vmem_shared>>) target_semaphore(%run_scoped3A : memref<!tpu.dma_semaphore, #tpu.memory_space<semaphore_mem>>)
        %dma_wait3A_87 = arith.constant 0 : i32
        %dma_wait3A_88 = arith.constant 0 : i32
        %dma_wait3A_89 = tpu.memref_slice %arg16[%dma_wait3A_87, %dma_wait3A_88] : memref<64x144xf32, #tpu.memory_space<vmem>> -> memref<64x144xf32, #tpu.memory_space<vmem>>
        %dma_wait3A_90 = arith.constant 0 : i32
        %dma_wait3A_91 = tpu.memref_slice %arg17[%add3A_76, %dma_wait3A_90] : memref<10000x144xf32, #tpu.memory_space<vmem_shared>> -> memref<64x144xf32, #tpu.memory_space<vmem_shared>>
        %dma_wait3A_92 = arith.constant 0 : i32
        %dma_wait3A_93 = tpu.memref_slice %arg17[%add3A_76, %dma_wait3A_92] : memref<10000x144xf32, #tpu.memory_space<vmem_shared>> -> memref<64x144xf32, #tpu.memory_space<vmem_shared>>
        %dma_wait3A_94 = arith.constant 0 : i32
        %dma_wait3A_95 = arith.constant 0 : i32
        %dma_wait3A_96 = tpu.memref_slice %arg16[%dma_wait3A_94, %dma_wait3A_95] : memref<64x144xf32, #tpu.memory_space<vmem>> -> memref<64x144xf32, #tpu.memory_space<vmem>>
        tpu.wait_dma2 semaphore(%run_scoped3A : memref<!tpu.dma_semaphore, #tpu.memory_space<semaphore_mem>>) src(%dma_wait3A_96 : memref<64x144xf32, #tpu.memory_space<vmem>>) dst(%dma_wait3A_93 : memref<64x144xf32, #tpu.memory_space<vmem_shared>>)
        tpu.yield
      }) : () -> ()
    }
    %scan3A_12 = arith.constant 9 : i32
    %mul3A_13 = arith.constant 625 : i32
    %mul3A_14 = arith.muli %arg1, %mul3A_13 : i32
    %add3A_15 = arith.constant 576 : i32
    %add3A_16 = arith.addi %mul3A_14, %add3A_15 : i32
    "tpu.region"() ({
      %run_scoped3A = tpu.sem_alloc : memref<!tpu.dma_semaphore, #tpu.memory_space<semaphore_mem>>
      %dma_start3A_67 = arith.constant 0 : i32
      %dma_start3A_68 = arith.constant 0 : i32
      %dma_start3A_69 = tpu.memref_slice %arg16[%dma_start3A_67, %dma_start3A_68] : memref<64x144xf32, #tpu.memory_space<vmem>> -> memref<49x144xf32, #tpu.memory_space<vmem>>
      %dma_start3A_70 = arith.constant 0 : i32
      %dma_start3A_71 = tpu.memref_slice %arg17[%add3A_16, %dma_start3A_70] : memref<10000x144xf32, #tpu.memory_space<vmem_shared>> -> memref<49x144xf32, #tpu.memory_space<vmem_shared>>
      %dma_start3A_72 = arith.constant 0 : i32
      %dma_start3A_73 = tpu.memref_slice %arg17[%add3A_16, %dma_start3A_72] : memref<10000x144xf32, #tpu.memory_space<vmem_shared>> -> memref<49x144xf32, #tpu.memory_space<vmem_shared>>
      %dma_start3A_74 = arith.constant 0 : i32
      %dma_start3A_75 = arith.constant 0 : i32
      %dma_start3A_76 = tpu.memref_slice %arg16[%dma_start3A_74, %dma_start3A_75] : memref<64x144xf32, #tpu.memory_space<vmem>> -> memref<49x144xf32, #tpu.memory_space<vmem>>
      tpu.enqueue_dma source(%dma_start3A_76 : memref<49x144xf32, #tpu.memory_space<vmem>>) target(%dma_start3A_73 : memref<49x144xf32, #tpu.memory_space<vmem_shared>>) target_semaphore(%run_scoped3A : memref<!tpu.dma_semaphore, #tpu.memory_space<semaphore_mem>>)
      %dma_wait3A_77 = arith.constant 0 : i32
      %dma_wait3A_78 = arith.constant 0 : i32
      %dma_wait3A_79 = tpu.memref_slice %arg16[%dma_wait3A_77, %dma_wait3A_78] : memref<64x144xf32, #tpu.memory_space<vmem>> -> memref<49x144xf32, #tpu.memory_space<vmem>>
      %dma_wait3A_80 = arith.constant 0 : i32
      %dma_wait3A_81 = tpu.memref_slice %arg17[%add3A_16, %dma_wait3A_80] : memref<10000x144xf32, #tpu.memory_space<vmem_shared>> -> memref<49x144xf32, #tpu.memory_space<vmem_shared>>
      %dma_wait3A_82 = arith.constant 0 : i32
      %dma_wait3A_83 = tpu.memref_slice %arg17[%add3A_16, %dma_wait3A_82] : memref<10000x144xf32, #tpu.memory_space<vmem_shared>> -> memref<49x144xf32, #tpu.memory_space<vmem_shared>>
      %dma_wait3A_84 = arith.constant 0 : i32
      %dma_wait3A_85 = arith.constant 0 : i32
      %dma_wait3A_86 = tpu.memref_slice %arg16[%dma_wait3A_84, %dma_wait3A_85] : memref<64x144xf32, #tpu.memory_space<vmem>> -> memref<49x144xf32, #tpu.memory_space<vmem>>
      tpu.wait_dma2 semaphore(%run_scoped3A : memref<!tpu.dma_semaphore, #tpu.memory_space<semaphore_mem>>) src(%dma_wait3A_86 : memref<49x144xf32, #tpu.memory_space<vmem>>) dst(%dma_wait3A_83 : memref<49x144xf32, #tpu.memory_space<vmem_shared>>)
      tpu.yield
    }) : () -> ()
    %barrier3A = arith.constant 0 : index
    tpu.barrier barrier_id(%barrier3A)
    %iota3A = tpu.iota {dimensions = array<i32: 0>} : vector<16xi32>
    %scan3A_17 = arith.constant 0 : i32
    %scan3A_18 = arith.constant 156 : i32
    %scan3A_19 = arith.addi %scan3A_17, %scan3A_18 : i32
    %scan3A_20 = arith.constant 1 : i32
    scf.for %scan3A_67 = %scan3A_17 to %scan3A_19 step %scan3A_20  : i32 {
      %mul3A_68 = arith.constant 1 : i32
      %mul3A_69 = arith.muli %scan3A_67, %mul3A_68 : i32
      %add3A_70 = arith.constant 0 : i32
      %add3A_71 = arith.addi %add3A_70, %mul3A_69 : i32
      %mul3A_72 = arith.constant 64 : i32
      %mul3A_73 = arith.muli %add3A_71, %mul3A_72 : i32
      %add3A_74 = arith.addi %mul3A_2, %mul3A_73 : i32
      "tpu.region"() ({
        %run_scoped3A = tpu.sem_alloc : memref<!tpu.dma_semaphore, #tpu.memory_space<semaphore_mem>>
        %dma_start3A_97 = tpu.memref_slice %arg2[%add3A_74] : memref<320000xi32, #tpu.memory_space<hbm>> -> memref<64xi32, #tpu.memory_space<hbm>>
        %dma_start3A_98 = tpu.memref_slice %arg2[%add3A_74] : memref<320000xi32, #tpu.memory_space<hbm>> -> memref<64xi32, #tpu.memory_space<hbm>>
        tpu.enqueue_dma source(%dma_start3A_98 : memref<64xi32, #tpu.memory_space<hbm>>) target(%arg10 : memref<64xi32, #tpu.memory_space<vmem>>) target_semaphore(%run_scoped3A : memref<!tpu.dma_semaphore, #tpu.memory_space<semaphore_mem>>)
        %dma_wait3A_99 = tpu.memref_slice %arg2[%add3A_74] : memref<320000xi32, #tpu.memory_space<hbm>> -> memref<64xi32, #tpu.memory_space<hbm>>
        %dma_wait3A_100 = tpu.memref_slice %arg2[%add3A_74] : memref<320000xi32, #tpu.memory_space<hbm>> -> memref<64xi32, #tpu.memory_space<hbm>>
        tpu.wait_dma2 semaphore(%run_scoped3A : memref<!tpu.dma_semaphore, #tpu.memory_space<semaphore_mem>>) src(%dma_wait3A_100 : memref<64xi32, #tpu.memory_space<hbm>>) dst(%arg10 : memref<64xi32, #tpu.memory_space<vmem>>)
        tpu.yield
      }) : () -> ()
      "tpu.region"() ({
        %run_scoped3A = tpu.sem_alloc : memref<!tpu.dma_semaphore, #tpu.memory_space<semaphore_mem>>
        %dma_start3A_97 = tpu.memref_slice %arg3[%add3A_74] : memref<320000xi32, #tpu.memory_space<hbm>> -> memref<64xi32, #tpu.memory_space<hbm>>
        %dma_start3A_98 = tpu.memref_slice %arg3[%add3A_74] : memref<320000xi32, #tpu.memory_space<hbm>> -> memref<64xi32, #tpu.memory_space<hbm>>
        tpu.enqueue_dma source(%dma_start3A_98 : memref<64xi32, #tpu.memory_space<hbm>>) target(%arg11 : memref<64xi32, #tpu.memory_space<vmem>>) target_semaphore(%run_scoped3A : memref<!tpu.dma_semaphore, #tpu.memory_space<semaphore_mem>>)
        %dma_wait3A_99 = tpu.memref_slice %arg3[%add3A_74] : memref<320000xi32, #tpu.memory_space<hbm>> -> memref<64xi32, #tpu.memory_space<hbm>>
        %dma_wait3A_100 = tpu.memref_slice %arg3[%add3A_74] : memref<320000xi32, #tpu.memory_space<hbm>> -> memref<64xi32, #tpu.memory_space<hbm>>
        tpu.wait_dma2 semaphore(%run_scoped3A : memref<!tpu.dma_semaphore, #tpu.memory_space<semaphore_mem>>) src(%dma_wait3A_100 : memref<64xi32, #tpu.memory_space<hbm>>) dst(%arg11 : memref<64xi32, #tpu.memory_space<vmem>>)
        tpu.yield
      }) : () -> ()
      %dma_start3A_75 = arith.constant 0 : i32
      %dma_start3A_76 = arith.constant 0 : i32
      %dma_start3A_77 = tpu.memref_slice %arg15[%dma_start3A_75, %dma_start3A_76] : memref<64x128xf32, #tpu.memory_space<vmem>> -> memref<64x128xf32, #tpu.memory_space<vmem>>
      %dma_start3A_78 = arith.constant 0 : i32
      %dma_start3A_79 = arith.constant 0 : i32
      %dma_start3A_80 = tpu.memref_slice %arg4[%dma_start3A_78, %dma_start3A_79] : memref<10000x128xf32, #tpu.memory_space<hbm>> -> memref<10000x128xf32, #tpu.memory_space<hbm>>
      tpu.enqueue_indirect_dma source(%dma_start3A_80 : memref<10000x128xf32, #tpu.memory_space<hbm>>) target(%dma_start3A_77 : memref<64x128xf32, #tpu.memory_space<vmem>>) offsets(%arg10 : memref<64xi32, #tpu.memory_space<vmem>>) semaphore(%arg18 : memref<!tpu.dma_semaphore, #tpu.memory_space<semaphore_mem>>)
      %scan3A_81 = arith.constant 0 : i32
      %scan3A_82 = arith.constant 4 : i32
      %scan3A_83 = arith.addi %scan3A_81, %scan3A_82 : i32
      %scan3A_84 = arith.constant 1 : i32
      scf.for %scan3A_97 = %scan3A_81 to %scan3A_83 step %scan3A_84  : i32 {
        %mul3A_98 = arith.constant 1 : i32
        %mul3A_99 = arith.muli %scan3A_97, %mul3A_98 : i32
        %add3A_100 = arith.constant 0 : i32
        %add3A_101 = arith.addi %add3A_100, %mul3A_99 : i32
        %mul3A_102 = arith.constant 16 : i32
        %mul3A_103 = arith.muli %add3A_101, %mul3A_102 : i32
        %get3A_104 = arith.index_cast %mul3A_103 : i32 to index
        %get3A_105 = tpu.vector_load %arg10[%get3A_104] {strides = array<i32>} : memref<64xi32, #tpu.memory_space<vmem>>, vector<16xi32>,
        %mul3A_106 = arith.constant 16 : i32
        %mul3A_107 = arith.muli %add3A_101, %mul3A_106 : i32
        %get3A_108 = arith.index_cast %mul3A_107 : i32 to index
        %get3A_109 = tpu.vector_load %arg11[%get3A_108] {strides = array<i32>} : memref<64xi32, #tpu.memory_space<vmem>>, vector<16xi32>,
        %gather3A_110 = tpu.vector_load_idx %arg8[%get3A_105] : memref<10000xf32, #tpu.memory_space<vmem>>[vector<16xi32>], vector<16xf32>,
        %gather3A_111 = tpu.vector_load_idx %arg9[%get3A_109] : memref<10000xf32, #tpu.memory_space<vmem>>[vector<16xi32>], vector<16xf32>,
        %add3A_112 = arith.addf %gather3A_110, %gather3A_111 : vector<16xf32>
        %gt3A_113 = arith.constant 0.000000e+00 : f32
        %gt3A_114 = vector.broadcast %gt3A_113 : f32 to vector<16xf32>
        %gt3A_115 = arith.cmpf ogt, %add3A_112, %gt3A_114 : vector<16xf32>
        %mul3A_116 = arith.constant 2.000000e-01 : f32
        %mul3A_117 = vector.broadcast %mul3A_116 : f32 to vector<16xf32>
        %mul3A_118 = arith.mulf %add3A_112, %mul3A_117 : vector<16xf32>
        %select_n3A_119 = arith.select %gt3A_115, %add3A_112, %mul3A_118 : vector<16xi1>, vector<16xf32>
        %exp3A_120 = math.exp %select_n3A_119 : vector<16xf32>
        %mul3A_121 = arith.constant 16 : i32
        %mul3A_122 = arith.muli %add3A_101, %mul3A_121 : i32
        %swap3A_123 = arith.index_cast %mul3A_122 : i32 to index
        %swap3A_124 = tpu.vector_load %arg14[%swap3A_123] {strides = array<i32>} : memref<64xf32, #tpu.memory_space<vmem>>, vector<16xf32>,
        tpu.vector_store %arg14[%swap3A_123], %exp3A_120 {strides = array<i32>} : memref<64xf32, #tpu.memory_space<vmem>>, vector<16xf32>,
      }
      %scan3A_85 = arith.constant 4 : i32
      %dma_wait3A_86 = arith.constant 0 : i32
      %dma_wait3A_87 = arith.constant 0 : i32
      %dma_wait3A_88 = tpu.memref_slice %arg15[%dma_wait3A_86, %dma_wait3A_87] : memref<64x128xf32, #tpu.memory_space<vmem>> -> memref<64x128xf32, #tpu.memory_space<vmem>>
      %dma_wait3A_89 = arith.constant 0 : i32
      %dma_wait3A_90 = arith.constant 0 : i32
      %dma_wait3A_91 = tpu.memref_slice %arg4[%dma_wait3A_89, %dma_wait3A_90] : memref<10000x128xf32, #tpu.memory_space<hbm>> -> memref<10000x128xf32, #tpu.memory_space<hbm>>
      tpu.wait_indirect_dma semaphore(%arg18 : memref<!tpu.dma_semaphore, #tpu.memory_space<semaphore_mem>>) src(%dma_wait3A_91 : memref<10000x128xf32, #tpu.memory_space<hbm>>) dst(%dma_wait3A_88 : memref<64x128xf32, #tpu.memory_space<vmem>>)
      %scan3A_92 = arith.constant 0 : i32
      %scan3A_93 = arith.constant 64 : i32
      %scan3A_94 = arith.addi %scan3A_92, %scan3A_93 : i32
      %scan3A_95 = arith.constant 1 : i32
      scf.for %scan3A_97 = %scan3A_92 to %scan3A_94 step %scan3A_95  : i32 {
        %mul3A_98 = arith.constant 1 : i32
        %mul3A_99 = arith.muli %scan3A_97, %mul3A_98 : i32
        %add3A_100 = arith.constant 0 : i32
        %add3A_101 = arith.addi %add3A_100, %mul3A_99 : i32
        %broadcast_in_dim3A_102 = vector.broadcast %add3A_101 : i32 to vector<16xi32>
        %gather3A_103 = tpu.vector_load_idx %arg14[%broadcast_in_dim3A_102] : memref<64xf32, #tpu.memory_space<vmem>>[vector<16xi32>], vector<16xf32>,
        %get3A_104 = arith.index_cast %add3A_101 : i32 to index
        %get3A_105 = arith.constant 0 : index
        %get3A_106 = tpu.vector_load %arg15[%get3A_104, %get3A_105] {strides = array<i32>} : memref<64x128xf32, #tpu.memory_space<vmem>>, vector<16xf32>,
        %mul3A_107 = arith.mulf %get3A_106, %gather3A_103 : vector<16xf32>
        %swap3A_108 = arith.index_cast %add3A_101 : i32 to index
        %swap3A_109 = arith.constant 0 : index
        %swap3A_110 = tpu.vector_load %arg16[%swap3A_108, %swap3A_109] {strides = array<i32>} : memref<64x144xf32, #tpu.memory_space<vmem>>, vector<16xf32>,
        tpu.vector_store %arg16[%swap3A_108, %swap3A_109], %mul3A_107 {strides = array<i32>} : memref<64x144xf32, #tpu.memory_space<vmem>>, vector<16xf32>,
        %get3A_111 = arith.index_cast %add3A_101 : i32 to index
        %get3A_112 = arith.constant 16 : index
        %get3A_113 = tpu.vector_load %arg15[%get3A_111, %get3A_112] {strides = array<i32>} : memref<64x128xf32, #tpu.memory_space<vmem>>, vector<16xf32>,
        %mul3A_114 = arith.mulf %get3A_113, %gather3A_103 : vector<16xf32>
        %swap3A_115 = arith.index_cast %add3A_101 : i32 to index
        %swap3A_116 = arith.constant 16 : index
        %swap3A_117 = tpu.vector_load %arg16[%swap3A_115, %swap3A_116] {strides = array<i32>} : memref<64x144xf32, #tpu.memory_space<vmem>>, vector<16xf32>,
        tpu.vector_store %arg16[%swap3A_115, %swap3A_116], %mul3A_114 {strides = array<i32>} : memref<64x144xf32, #tpu.memory_space<vmem>>, vector<16xf32>,
        %get3A_118 = arith.index_cast %add3A_101 : i32 to index
        %get3A_119 = arith.constant 32 : index
        %get3A_120 = tpu.vector_load %arg15[%get3A_118, %get3A_119] {strides = array<i32>} : memref<64x128xf32, #tpu.memory_space<vmem>>, vector<16xf32>,
        %mul3A_121 = arith.mulf %get3A_120, %gather3A_103 : vector<16xf32>
        %swap3A_122 = arith.index_cast %add3A_101 : i32 to index
        %swap3A_123 = arith.constant 32 : index
        %swap3A_124 = tpu.vector_load %arg16[%swap3A_122, %swap3A_123] {strides = array<i32>} : memref<64x144xf32, #tpu.memory_space<vmem>>, vector<16xf32>,
        tpu.vector_store %arg16[%swap3A_122, %swap3A_123], %mul3A_121 {strides = array<i32>} : memref<64x144xf32, #tpu.memory_space<vmem>>, vector<16xf32>,
        %get3A_125 = arith.index_cast %add3A_101 : i32 to index
        %get3A_126 = arith.constant 48 : index
        %get3A_127 = tpu.vector_load %arg15[%get3A_125, %get3A_126] {strides = array<i32>} : memref<64x128xf32, #tpu.memory_space<vmem>>, vector<16xf32>,
        %mul3A_128 = arith.mulf %get3A_127, %gather3A_103 : vector<16xf32>
        %swap3A_129 = arith.index_cast %add3A_101 : i32 to index
        %swap3A_130 = arith.constant 48 : index
        %swap3A_131 = tpu.vector_load %arg16[%swap3A_129, %swap3A_130] {strides = array<i32>} : memref<64x144xf32, #tpu.memory_space<vmem>>, vector<16xf32>,
        tpu.vector_store %arg16[%swap3A_129, %swap3A_130], %mul3A_128 {strides = array<i32>} : memref<64x144xf32, #tpu.memory_space<vmem>>, vector<16xf32>,
        %get3A_132 = arith.index_cast %add3A_101 : i32 to index
        %get3A_133 = arith.constant 64 : index
        %get3A_134 = tpu.vector_load %arg15[%get3A_132, %get3A_133] {strides = array<i32>} : memref<64x128xf32, #tpu.memory_space<vmem>>, vector<16xf32>,
        %mul3A_135 = arith.mulf %get3A_134, %gather3A_103 : vector<16xf32>
        %swap3A_136 = arith.index_cast %add3A_101 : i32 to index
        %swap3A_137 = arith.constant 64 : index
        %swap3A_138 = tpu.vector_load %arg16[%swap3A_136, %swap3A_137] {strides = array<i32>} : memref<64x144xf32, #tpu.memory_space<vmem>>, vector<16xf32>,
        tpu.vector_store %arg16[%swap3A_136, %swap3A_137], %mul3A_135 {strides = array<i32>} : memref<64x144xf32, #tpu.memory_space<vmem>>, vector<16xf32>,
        %get3A_139 = arith.index_cast %add3A_101 : i32 to index
        %get3A_140 = arith.constant 80 : index
        %get3A_141 = tpu.vector_load %arg15[%get3A_139, %get3A_140] {strides = array<i32>} : memref<64x128xf32, #tpu.memory_space<vmem>>, vector<16xf32>,
        %mul3A_142 = arith.mulf %get3A_141, %gather3A_103 : vector<16xf32>
        %swap3A_143 = arith.index_cast %add3A_101 : i32 to index
        %swap3A_144 = arith.constant 80 : index
        %swap3A_145 = tpu.vector_load %arg16[%swap3A_143, %swap3A_144] {strides = array<i32>} : memref<64x144xf32, #tpu.memory_space<vmem>>, vector<16xf32>,
        tpu.vector_store %arg16[%swap3A_143, %swap3A_144], %mul3A_142 {strides = array<i32>} : memref<64x144xf32, #tpu.memory_space<vmem>>, vector<16xf32>,
        %get3A_146 = arith.index_cast %add3A_101 : i32 to index
        %get3A_147 = arith.constant 96 : index
        %get3A_148 = tpu.vector_load %arg15[%get3A_146, %get3A_147] {strides = array<i32>} : memref<64x128xf32, #tpu.memory_space<vmem>>, vector<16xf32>,
        %mul3A_149 = arith.mulf %get3A_148, %gather3A_103 : vector<16xf32>
        %swap3A_150 = arith.index_cast %add3A_101 : i32 to index
        %swap3A_151 = arith.constant 96 : index
        %swap3A_152 = tpu.vector_load %arg16[%swap3A_150, %swap3A_151] {strides = array<i32>} : memref<64x144xf32, #tpu.memory_space<vmem>>, vector<16xf32>,
        tpu.vector_store %arg16[%swap3A_150, %swap3A_151], %mul3A_149 {strides = array<i32>} : memref<64x144xf32, #tpu.memory_space<vmem>>, vector<16xf32>,
        %get3A_153 = arith.index_cast %add3A_101 : i32 to index
        %get3A_154 = arith.constant 112 : index
        %get3A_155 = tpu.vector_load %arg15[%get3A_153, %get3A_154] {strides = array<i32>} : memref<64x128xf32, #tpu.memory_space<vmem>>, vector<16xf32>,
        %mul3A_156 = arith.mulf %get3A_155, %gather3A_103 : vector<16xf32>
        %swap3A_157 = arith.index_cast %add3A_101 : i32 to index
        %swap3A_158 = arith.constant 112 : index
        %swap3A_159 = tpu.vector_load %arg16[%swap3A_157, %swap3A_158] {strides = array<i32>} : memref<64x144xf32, #tpu.memory_space<vmem>>, vector<16xf32>,
        tpu.vector_store %arg16[%swap3A_157, %swap3A_158], %mul3A_156 {strides = array<i32>} : memref<64x144xf32, #tpu.memory_space<vmem>>, vector<16xf32>,
        %eq3A = arith.constant 0 : i32
        %eq3A_160 = vector.broadcast %eq3A : i32 to vector<16xi32>
        %eq3A_161 = arith.cmpi eq, %iota3A, %eq3A_160 : vector<16xi32>
        %jit3A = arith.constant 0.000000e+00 : f32
        %broadcast_in_dim3A_162 = vector.broadcast %jit3A : f32 to vector<16xf32>
        %select_n3A_163 = arith.select %eq3A_161, %gather3A_103, %broadcast_in_dim3A_162 : vector<16xi1>, vector<16xf32>
        %swap3A_164 = arith.index_cast %add3A_101 : i32 to index
        %swap3A_165 = arith.constant 128 : index
        %swap3A_166 = tpu.vector_load %arg16[%swap3A_164, %swap3A_165] {strides = array<i32>} : memref<64x144xf32, #tpu.memory_space<vmem>>, vector<16xf32>,
        tpu.vector_store %arg16[%swap3A_164, %swap3A_165], %select_n3A_163 {strides = array<i32>} : memref<64x144xf32, #tpu.memory_space<vmem>>, vector<16xf32>,
      }
      %scan3A_96 = arith.constant 64 : i32
      "tpu.region"() ({
        %run_scoped3A = tpu.sem_alloc : memref<!tpu.dma_semaphore, #tpu.memory_space<semaphore_mem>>
        %dma_start3A_97 = arith.constant 0 : i32
        %dma_start3A_98 = arith.constant 0 : i32
        %dma_start3A_99 = tpu.memref_slice %arg16[%dma_start3A_97, %dma_start3A_98] : memref<64x144xf32, #tpu.memory_space<vmem>> -> memref<64x144xf32, #tpu.memory_space<vmem>>
        %dma_start3A_100 = arith.constant 0 : i32
        %dma_start3A_101 = arith.constant 0 : i32
        %dma_start3A_102 = tpu.memref_slice %arg17[%dma_start3A_100, %dma_start3A_101] : memref<10000x144xf32, #tpu.memory_space<vmem_shared>> -> memref<10000x144xf32, #tpu.memory_space<vmem_shared>>
        tpu.enqueue_indirect_dma source(%dma_start3A_99 : memref<64x144xf32, #tpu.memory_space<vmem>>) target(%dma_start3A_102 : memref<10000x144xf32, #tpu.memory_space<vmem_shared>>) offsets(%arg11 : memref<64xi32, #tpu.memory_space<vmem>>) semaphore(%run_scoped3A : memref<!tpu.dma_semaphore, #tpu.memory_space<semaphore_mem>>) {add = true}
        %dma_wait3A_103 = arith.constant 0 : i32
        %dma_wait3A_104 = arith.constant 0 : i32
        %dma_wait3A_105 = tpu.memref_slice %arg16[%dma_wait3A_103, %dma_wait3A_104] : memref<64x144xf32, #tpu.memory_space<vmem>> -> memref<64x144xf32, #tpu.memory_space<vmem>>
        %dma_wait3A_106 = arith.constant 0 : i32
        %dma_wait3A_107 = arith.constant 0 : i32
        %dma_wait3A_108 = tpu.memref_slice %arg17[%dma_wait3A_106, %dma_wait3A_107] : memref<10000x144xf32, #tpu.memory_space<vmem_shared>> -> memref<10000x144xf32, #tpu.memory_space<vmem_shared>>
        tpu.wait_indirect_dma semaphore(%run_scoped3A : memref<!tpu.dma_semaphore, #tpu.memory_space<semaphore_mem>>) src(%dma_wait3A_105 : memref<64x144xf32, #tpu.memory_space<vmem>>) dst(%dma_wait3A_108 : memref<10000x144xf32, #tpu.memory_space<vmem_shared>>)
        tpu.yield
      }) : () -> ()
    }
    %scan3A_21 = arith.constant 156 : i32
    %add3A_22 = arith.constant 9984 : i32
    %add3A_23 = arith.addi %mul3A_2, %add3A_22 : i32
    "tpu.region"() ({
      %run_scoped3A = tpu.sem_alloc : memref<!tpu.dma_semaphore, #tpu.memory_space<semaphore_mem>>
      %dma_start3A_67 = tpu.memref_slice %arg2[%add3A_23] : memref<320000xi32, #tpu.memory_space<hbm>> -> memref<16xi32, #tpu.memory_space<hbm>>
      %dma_start3A_68 = tpu.memref_slice %arg2[%add3A_23] : memref<320000xi32, #tpu.memory_space<hbm>> -> memref<16xi32, #tpu.memory_space<hbm>>
      tpu.enqueue_dma source(%dma_start3A_68 : memref<16xi32, #tpu.memory_space<hbm>>) target(%arg12 : memref<16xi32, #tpu.memory_space<vmem>>) target_semaphore(%run_scoped3A : memref<!tpu.dma_semaphore, #tpu.memory_space<semaphore_mem>>)
      %dma_wait3A_69 = tpu.memref_slice %arg2[%add3A_23] : memref<320000xi32, #tpu.memory_space<hbm>> -> memref<16xi32, #tpu.memory_space<hbm>>
      %dma_wait3A_70 = tpu.memref_slice %arg2[%add3A_23] : memref<320000xi32, #tpu.memory_space<hbm>> -> memref<16xi32, #tpu.memory_space<hbm>>
      tpu.wait_dma2 semaphore(%run_scoped3A : memref<!tpu.dma_semaphore, #tpu.memory_space<semaphore_mem>>) src(%dma_wait3A_70 : memref<16xi32, #tpu.memory_space<hbm>>) dst(%arg12 : memref<16xi32, #tpu.memory_space<vmem>>)
      tpu.yield
    }) : () -> ()
    "tpu.region"() ({
      %run_scoped3A = tpu.sem_alloc : memref<!tpu.dma_semaphore, #tpu.memory_space<semaphore_mem>>
      %dma_start3A_67 = tpu.memref_slice %arg3[%add3A_23] : memref<320000xi32, #tpu.memory_space<hbm>> -> memref<16xi32, #tpu.memory_space<hbm>>
      %dma_start3A_68 = tpu.memref_slice %arg3[%add3A_23] : memref<320000xi32, #tpu.memory_space<hbm>> -> memref<16xi32, #tpu.memory_space<hbm>>
      tpu.enqueue_dma source(%dma_start3A_68 : memref<16xi32, #tpu.memory_space<hbm>>) target(%arg13 : memref<16xi32, #tpu.memory_space<vmem>>) target_semaphore(%run_scoped3A : memref<!tpu.dma_semaphore, #tpu.memory_space<semaphore_mem>>)
      %dma_wait3A_69 = tpu.memref_slice %arg3[%add3A_23] : memref<320000xi32, #tpu.memory_space<hbm>> -> memref<16xi32, #tpu.memory_space<hbm>>
      %dma_wait3A_70 = tpu.memref_slice %arg3[%add3A_23] : memref<320000xi32, #tpu.memory_space<hbm>> -> memref<16xi32, #tpu.memory_space<hbm>>
      tpu.wait_dma2 semaphore(%run_scoped3A : memref<!tpu.dma_semaphore, #tpu.memory_space<semaphore_mem>>) src(%dma_wait3A_70 : memref<16xi32, #tpu.memory_space<hbm>>) dst(%arg13 : memref<16xi32, #tpu.memory_space<vmem>>)
      tpu.yield
    }) : () -> ()
    %dma_start3A = arith.constant 0 : i32
    %dma_start3A_24 = arith.constant 0 : i32
    %dma_start3A_25 = tpu.memref_slice %arg15[%dma_start3A, %dma_start3A_24] : memref<64x128xf32, #tpu.memory_space<vmem>> -> memref<16x128xf32, #tpu.memory_space<vmem>>
    %dma_start3A_26 = arith.constant 0 : i32
    %dma_start3A_27 = arith.constant 0 : i32
    %dma_start3A_28 = tpu.memref_slice %arg4[%dma_start3A_26, %dma_start3A_27] : memref<10000x128xf32, #tpu.memory_space<hbm>> -> memref<10000x128xf32, #tpu.memory_space<hbm>>
    tpu.enqueue_indirect_dma source(%dma_start3A_28 : memref<10000x128xf32, #tpu.memory_space<hbm>>) target(%dma_start3A_25 : memref<16x128xf32, #tpu.memory_space<vmem>>) offsets(%arg12 : memref<16xi32, #tpu.memory_space<vmem>>) semaphore(%arg18 : memref<!tpu.dma_semaphore, #tpu.memory_space<semaphore_mem>>)
    %scan3A_29 = arith.constant 0 : i32
    %mul3A_30 = arith.constant 1 : i32
    %mul3A_31 = arith.muli %scan3A_29, %mul3A_30 : i32
    %add3A_32 = arith.constant 0 : i32
    %add3A_33 = arith.addi %add3A_32, %mul3A_31 : i32
    %mul3A_34 = arith.constant 16 : i32
    %mul3A_35 = arith.muli %add3A_33, %mul3A_34 : i32
    %get3A = arith.index_cast %mul3A_35 : i32 to index
    %get3A_36 = tpu.vector_load %arg12[%get3A] {strides = array<i32>} : memref<16xi32, #tpu.memory_space<vmem>>, vector<16xi32>,
    %mul3A_37 = arith.constant 16 : i32
    %mul3A_38 = arith.muli %add3A_33, %mul3A_37 : i32
    %get3A_39 = arith.index_cast %mul3A_38 : i32 to index
    %get3A_40 = tpu.vector_load %arg13[%get3A_39] {strides = array<i32>} : memref<16xi32, #tpu.memory_space<vmem>>, vector<16xi32>,
    %gather3A = tpu.vector_load_idx %arg8[%get3A_36] : memref<10000xf32, #tpu.memory_space<vmem>>[vector<16xi32>], vector<16xf32>,
    %gather3A_41 = tpu.vector_load_idx %arg9[%get3A_40] : memref<10000xf32, #tpu.memory_space<vmem>>[vector<16xi32>], vector<16xf32>,
    %add3A_42 = arith.addf %gather3A, %gather3A_41 : vector<16xf32>
    %gt3A = arith.constant 0.000000e+00 : f32
    %gt3A_43 = vector.broadcast %gt3A : f32 to vector<16xf32>
    %gt3A_44 = arith.cmpf ogt, %add3A_42, %gt3A_43 : vector<16xf32>
    %mul3A_45 = arith.constant 2.000000e-01 : f32
    %mul3A_46 = vector.broadcast %mul3A_45 : f32 to vector<16xf32>
    %mul3A_47 = arith.mulf %add3A_42, %mul3A_46 : vector<16xf32>
    %select_n3A = arith.select %gt3A_44, %add3A_42, %mul3A_47 : vector<16xi1>, vector<16xf32>
    %exp3A = math.exp %select_n3A : vector<16xf32>
    %mul3A_48 = arith.constant 16 : i32
    %mul3A_49 = arith.muli %add3A_33, %mul3A_48 : i32
    %swap3A = arith.index_cast %mul3A_49 : i32 to index
    %swap3A_50 = tpu.vector_load %arg14[%swap3A] {strides = array<i32>} : memref<64xf32, #tpu.memory_space<vmem>>, vector<16xf32>,
    tpu.vector_store %arg14[%swap3A], %exp3A {strides = array<i32>} : memref<64xf32, #tpu.memory_space<vmem>>, vector<16xf32>,
    %scan3A_51 = arith.constant 1 : i32
    %dma_wait3A = arith.constant 0 : i32
    %dma_wait3A_52 = arith.constant 0 : i32
    %dma_wait3A_53 = tpu.memref_slice %arg15[%dma_wait3A, %dma_wait3A_52] : memref<64x128xf32, #tpu.memory_space<vmem>> -> memref<16x128xf32, #tpu.memory_space<vmem>>
    %dma_wait3A_54 = arith.constant 0 : i32
    %dma_wait3A_55 = arith.constant 0 : i32
    %dma_wait3A_56 = tpu.memref_slice %arg4[%dma_wait3A_54, %dma_wait3A_55] : memref<10000x128xf32, #tpu.memory_space<hbm>> -> memref<10000x128xf32, #tpu.memory_space<hbm>>
    tpu.wait_indirect_dma semaphore(%arg18 : memref<!tpu.dma_semaphore, #tpu.memory_space<semaphore_mem>>) src(%dma_wait3A_56 : memref<10000x128xf32, #tpu.memory_space<hbm>>) dst(%dma_wait3A_53 : memref<16x128xf32, #tpu.memory_space<vmem>>)
    %scan3A_57 = arith.constant 0 : i32
    %scan3A_58 = arith.constant 16 : i32
    %scan3A_59 = arith.addi %scan3A_57, %scan3A_58 : i32
    %scan3A_60 = arith.constant 1 : i32
    scf.for %scan3A_67 = %scan3A_57 to %scan3A_59 step %scan3A_60  : i32 {
      %mul3A_68 = arith.constant 1 : i32
      %mul3A_69 = arith.muli %scan3A_67, %mul3A_68 : i32
      %add3A_70 = arith.constant 0 : i32
      %add3A_71 = arith.addi %add3A_70, %mul3A_69 : i32
      %broadcast_in_dim3A_72 = vector.broadcast %add3A_71 : i32 to vector<16xi32>
      %gather3A_73 = tpu.vector_load_idx %arg14[%broadcast_in_dim3A_72] : memref<64xf32, #tpu.memory_space<vmem>>[vector<16xi32>], vector<16xf32>,
      %get3A_74 = arith.index_cast %add3A_71 : i32 to index
      %get3A_75 = arith.constant 0 : index
      %get3A_76 = tpu.vector_load %arg15[%get3A_74, %get3A_75] {strides = array<i32>} : memref<64x128xf32, #tpu.memory_space<vmem>>, vector<16xf32>,
      %mul3A_77 = arith.mulf %get3A_76, %gather3A_73 : vector<16xf32>
      %swap3A_78 = arith.index_cast %add3A_71 : i32 to index
      %swap3A_79 = arith.constant 0 : index
      %swap3A_80 = tpu.vector_load %arg16[%swap3A_78, %swap3A_79] {strides = array<i32>} : memref<64x144xf32, #tpu.memory_space<vmem>>, vector<16xf32>,
      tpu.vector_store %arg16[%swap3A_78, %swap3A_79], %mul3A_77 {strides = array<i32>} : memref<64x144xf32, #tpu.memory_space<vmem>>, vector<16xf32>,
      %get3A_81 = arith.index_cast %add3A_71 : i32 to index
      %get3A_82 = arith.constant 16 : index
      %get3A_83 = tpu.vector_load %arg15[%get3A_81, %get3A_82] {strides = array<i32>} : memref<64x128xf32, #tpu.memory_space<vmem>>, vector<16xf32>,
      %mul3A_84 = arith.mulf %get3A_83, %gather3A_73 : vector<16xf32>
      %swap3A_85 = arith.index_cast %add3A_71 : i32 to index
      %swap3A_86 = arith.constant 16 : index
      %swap3A_87 = tpu.vector_load %arg16[%swap3A_85, %swap3A_86] {strides = array<i32>} : memref<64x144xf32, #tpu.memory_space<vmem>>, vector<16xf32>,
      tpu.vector_store %arg16[%swap3A_85, %swap3A_86], %mul3A_84 {strides = array<i32>} : memref<64x144xf32, #tpu.memory_space<vmem>>, vector<16xf32>,
      %get3A_88 = arith.index_cast %add3A_71 : i32 to index
      %get3A_89 = arith.constant 32 : index
      %get3A_90 = tpu.vector_load %arg15[%get3A_88, %get3A_89] {strides = array<i32>} : memref<64x128xf32, #tpu.memory_space<vmem>>, vector<16xf32>,
      %mul3A_91 = arith.mulf %get3A_90, %gather3A_73 : vector<16xf32>
      %swap3A_92 = arith.index_cast %add3A_71 : i32 to index
      %swap3A_93 = arith.constant 32 : index
      %swap3A_94 = tpu.vector_load %arg16[%swap3A_92, %swap3A_93] {strides = array<i32>} : memref<64x144xf32, #tpu.memory_space<vmem>>, vector<16xf32>,
      tpu.vector_store %arg16[%swap3A_92, %swap3A_93], %mul3A_91 {strides = array<i32>} : memref<64x144xf32, #tpu.memory_space<vmem>>, vector<16xf32>,
      %get3A_95 = arith.index_cast %add3A_71 : i32 to index
      %get3A_96 = arith.constant 48 : index
      %get3A_97 = tpu.vector_load %arg15[%get3A_95, %get3A_96] {strides = array<i32>} : memref<64x128xf32, #tpu.memory_space<vmem>>, vector<16xf32>,
      %mul3A_98 = arith.mulf %get3A_97, %gather3A_73 : vector<16xf32>
      %swap3A_99 = arith.index_cast %add3A_71 : i32 to index
      %swap3A_100 = arith.constant 48 : index
      %swap3A_101 = tpu.vector_load %arg16[%swap3A_99, %swap3A_100] {strides = array<i32>} : memref<64x144xf32, #tpu.memory_space<vmem>>, vector<16xf32>,
      tpu.vector_store %arg16[%swap3A_99, %swap3A_100], %mul3A_98 {strides = array<i32>} : memref<64x144xf32, #tpu.memory_space<vmem>>, vector<16xf32>,
      %get3A_102 = arith.index_cast %add3A_71 : i32 to index
      %get3A_103 = arith.constant 64 : index
      %get3A_104 = tpu.vector_load %arg15[%get3A_102, %get3A_103] {strides = array<i32>} : memref<64x128xf32, #tpu.memory_space<vmem>>, vector<16xf32>,
      %mul3A_105 = arith.mulf %get3A_104, %gather3A_73 : vector<16xf32>
      %swap3A_106 = arith.index_cast %add3A_71 : i32 to index
      %swap3A_107 = arith.constant 64 : index
      %swap3A_108 = tpu.vector_load %arg16[%swap3A_106, %swap3A_107] {strides = array<i32>} : memref<64x144xf32, #tpu.memory_space<vmem>>, vector<16xf32>,
      tpu.vector_store %arg16[%swap3A_106, %swap3A_107], %mul3A_105 {strides = array<i32>} : memref<64x144xf32, #tpu.memory_space<vmem>>, vector<16xf32>,
      %get3A_109 = arith.index_cast %add3A_71 : i32 to index
      %get3A_110 = arith.constant 80 : index
      %get3A_111 = tpu.vector_load %arg15[%get3A_109, %get3A_110] {strides = array<i32>} : memref<64x128xf32, #tpu.memory_space<vmem>>, vector<16xf32>,
      %mul3A_112 = arith.mulf %get3A_111, %gather3A_73 : vector<16xf32>
      %swap3A_113 = arith.index_cast %add3A_71 : i32 to index
      %swap3A_114 = arith.constant 80 : index
      %swap3A_115 = tpu.vector_load %arg16[%swap3A_113, %swap3A_114] {strides = array<i32>} : memref<64x144xf32, #tpu.memory_space<vmem>>, vector<16xf32>,
      tpu.vector_store %arg16[%swap3A_113, %swap3A_114], %mul3A_112 {strides = array<i32>} : memref<64x144xf32, #tpu.memory_space<vmem>>, vector<16xf32>,
      %get3A_116 = arith.index_cast %add3A_71 : i32 to index
      %get3A_117 = arith.constant 96 : index
      %get3A_118 = tpu.vector_load %arg15[%get3A_116, %get3A_117] {strides = array<i32>} : memref<64x128xf32, #tpu.memory_space<vmem>>, vector<16xf32>,
      %mul3A_119 = arith.mulf %get3A_118, %gather3A_73 : vector<16xf32>
      %swap3A_120 = arith.index_cast %add3A_71 : i32 to index
      %swap3A_121 = arith.constant 96 : index
      %swap3A_122 = tpu.vector_load %arg16[%swap3A_120, %swap3A_121] {strides = array<i32>} : memref<64x144xf32, #tpu.memory_space<vmem>>, vector<16xf32>,
      tpu.vector_store %arg16[%swap3A_120, %swap3A_121], %mul3A_119 {strides = array<i32>} : memref<64x144xf32, #tpu.memory_space<vmem>>, vector<16xf32>,
      %get3A_123 = arith.index_cast %add3A_71 : i32 to index
      %get3A_124 = arith.constant 112 : index
      %get3A_125 = tpu.vector_load %arg15[%get3A_123, %get3A_124] {strides = array<i32>} : memref<64x128xf32, #tpu.memory_space<vmem>>, vector<16xf32>,
      %mul3A_126 = arith.mulf %get3A_125, %gather3A_73 : vector<16xf32>
      %swap3A_127 = arith.index_cast %add3A_71 : i32 to index
      %swap3A_128 = arith.constant 112 : index
      %swap3A_129 = tpu.vector_load %arg16[%swap3A_127, %swap3A_128] {strides = array<i32>} : memref<64x144xf32, #tpu.memory_space<vmem>>, vector<16xf32>,
      tpu.vector_store %arg16[%swap3A_127, %swap3A_128], %mul3A_126 {strides = array<i32>} : memref<64x144xf32, #tpu.memory_space<vmem>>, vector<16xf32>,
      %eq3A = arith.constant 0 : i32
      %eq3A_130 = vector.broadcast %eq3A : i32 to vector<16xi32>
      %eq3A_131 = arith.cmpi eq, %iota3A, %eq3A_130 : vector<16xi32>
      %jit3A = arith.constant 0.000000e+00 : f32
      %broadcast_in_dim3A_132 = vector.broadcast %jit3A : f32 to vector<16xf32>
      %select_n3A_133 = arith.select %eq3A_131, %gather3A_73, %broadcast_in_dim3A_132 : vector<16xi1>, vector<16xf32>
      %swap3A_134 = arith.index_cast %add3A_71 : i32 to index
      %swap3A_135 = arith.constant 128 : index
      %swap3A_136 = tpu.vector_load %arg16[%swap3A_134, %swap3A_135] {strides = array<i32>} : memref<64x144xf32, #tpu.memory_space<vmem>>, vector<16xf32>,
      tpu.vector_store %arg16[%swap3A_134, %swap3A_135], %select_n3A_133 {strides = array<i32>} : memref<64x144xf32, #tpu.memory_space<vmem>>, vector<16xf32>,
    }
    %scan3A_61 = arith.constant 16 : i32
    "tpu.region"() ({
      %run_scoped3A = tpu.sem_alloc : memref<!tpu.dma_semaphore, #tpu.memory_space<semaphore_mem>>
      %dma_start3A_67 = arith.constant 0 : i32
      %dma_start3A_68 = arith.constant 0 : i32
      %dma_start3A_69 = tpu.memref_slice %arg16[%dma_start3A_67, %dma_start3A_68] : memref<64x144xf32, #tpu.memory_space<vmem>> -> memref<16x144xf32, #tpu.memory_space<vmem>>
      %dma_start3A_70 = arith.constant 0 : i32
      %dma_start3A_71 = arith.constant 0 : i32
      %dma_start3A_72 = tpu.memref_slice %arg17[%dma_start3A_70, %dma_start3A_71] : memref<10000x144xf32, #tpu.memory_space<vmem_shared>> -> memref<10000x144xf32, #tpu.memory_space<vmem_shared>>
      tpu.enqueue_indirect_dma source(%dma_start3A_69 : memref<16x144xf32, #tpu.memory_space<vmem>>) target(%dma_start3A_72 : memref<10000x144xf32, #tpu.memory_space<vmem_shared>>) offsets(%arg13 : memref<16xi32, #tpu.memory_space<vmem>>) semaphore(%run_scoped3A : memref<!tpu.dma_semaphore, #tpu.memory_space<semaphore_mem>>) {add = true}
      %dma_wait3A_73 = arith.constant 0 : i32
      %dma_wait3A_74 = arith.constant 0 : i32
      %dma_wait3A_75 = tpu.memref_slice %arg16[%dma_wait3A_73, %dma_wait3A_74] : memref<64x144xf32, #tpu.memory_space<vmem>> -> memref<16x144xf32, #tpu.memory_space<vmem>>
      %dma_wait3A_76 = arith.constant 0 : i32
      %dma_wait3A_77 = arith.constant 0 : i32
      %dma_wait3A_78 = tpu.memref_slice %arg17[%dma_wait3A_76, %dma_wait3A_77] : memref<10000x144xf32, #tpu.memory_space<vmem_shared>> -> memref<10000x144xf32, #tpu.memory_space<vmem_shared>>
      tpu.wait_indirect_dma semaphore(%run_scoped3A : memref<!tpu.dma_semaphore, #tpu.memory_space<semaphore_mem>>) src(%dma_wait3A_75 : memref<16x144xf32, #tpu.memory_space<vmem>>) dst(%dma_wait3A_78 : memref<10000x144xf32, #tpu.memory_space<vmem_shared>>)
      tpu.yield
    }) : () -> ()
    %barrier3A_62 = arith.constant 0 : index
    tpu.barrier barrier_id(%barrier3A_62)
    %mul3A_63 = arith.constant 625 : i32
    %mul3A_64 = arith.muli %arg1, %mul3A_63 : i32
    %mul3A_65 = arith.constant 625 : i32
    %mul3A_66 = arith.muli %arg1, %mul3A_65 : i32
    "tpu.region"() ({
      %run_scoped3A = tpu.sem_alloc : memref<!tpu.dma_semaphore, #tpu.memory_space<semaphore_mem>>
      %dma_start3A_67 = arith.constant 0 : i32
      %dma_start3A_68 = tpu.memref_slice %arg7[%arg0, %mul3A_66, %dma_start3A_67] : memref<2x10000x144xf32, #tpu.memory_space<hbm>> -> memref<1x625x144xf32, #tpu.memory_space<hbm>>
      %dma_start3A_69 = tpu.memref_squeeze %dma_start3A_68 : memref<1x625x144xf32, #tpu.memory_space<hbm>> -> memref<625x144xf32, #tpu.memory_space<hbm>>
      %dma_start3A_70 = arith.constant 0 : i32
      %dma_start3A_71 = tpu.memref_slice %arg17[%mul3A_64, %dma_start3A_70] : memref<10000x144xf32, #tpu.memory_space<vmem_shared>> -> memref<625x144xf32, #tpu.memory_space<vmem_shared>>
      tpu.enqueue_dma source(%dma_start3A_71 : memref<625x144xf32, #tpu.memory_space<vmem_shared>>) target(%dma_start3A_69 : memref<625x144xf32, #tpu.memory_space<hbm>>) target_semaphore(%run_scoped3A : memref<!tpu.dma_semaphore, #tpu.memory_space<semaphore_mem>>)
      %dma_wait3A_72 = arith.constant 0 : i32
      %dma_wait3A_73 = tpu.memref_slice %arg7[%arg0, %mul3A_66, %dma_wait3A_72] : memref<2x10000x144xf32, #tpu.memory_space<hbm>> -> memref<1x625x144xf32, #tpu.memory_space<hbm>>
      %dma_wait3A_74 = tpu.memref_squeeze %dma_wait3A_73 : memref<1x625x144xf32, #tpu.memory_space<hbm>> -> memref<625x144xf32, #tpu.memory_space<hbm>>
      %dma_wait3A_75 = arith.constant 0 : i32
      %dma_wait3A_76 = tpu.memref_slice %arg17[%mul3A_64, %dma_wait3A_75] : memref<10000x144xf32, #tpu.memory_space<vmem_shared>> -> memref<625x144xf32, #tpu.memory_space<vmem_shared>>
      tpu.wait_dma2 semaphore(%run_scoped3A : memref<!tpu.dma_semaphore, #tpu.memory_space<semaphore_mem>>) src(%dma_wait3A_76 : memref<625x144xf32, #tpu.memory_space<vmem_shared>>) dst(%dma_wait3A_74 : memref<625x144xf32, #tpu.memory_space<hbm>>)
      tpu.yield
    }) : () -> ()
    return
  }
}

module attributes {stable_mosaic.version = 14 : i64} {
  func.func @_combine_body(%arg0: memref<2x10000x144xf32, #tpu.memory_space<vmem>>, %arg1: memref<128xf32, #tpu.memory_space<vmem>>, %arg2: memref<128xf32, #tpu.memory_space<vmem>>, %arg3: memref<10000x128xf32, #tpu.memory_space<vmem>>) attributes {dimension_semantics = [], scalar_prefetch = 0 : i64, scratch_operands = 0 : i64, tpu.core_type = #tpu.core_type<tc>} {
    %get3A = arith.constant 0 : index
    %get3A_0 = arith.constant 0 : index
    %get3A_1 = arith.constant 0 : index
    %get3A_2 = vector.load %arg0[%get3A, %get3A_0, %get3A_1] : memref<2x10000x144xf32, #tpu.memory_space<vmem>>, vector<1x10000x144xf32>
    %get3A_3 = vector.shape_cast %get3A_2 : vector<1x10000x144xf32> to vector<10000x144xf32>
    %get3A_4 = arith.constant 1 : index
    %get3A_5 = arith.constant 0 : index
    %get3A_6 = arith.constant 0 : index
    %get3A_7 = vector.load %arg0[%get3A_4, %get3A_5, %get3A_6] : memref<2x10000x144xf32, #tpu.memory_space<vmem>>, vector<1x10000x144xf32>
    %get3A_8 = vector.shape_cast %get3A_7 : vector<1x10000x144xf32> to vector<10000x144xf32>
    %add3A = arith.addf %get3A_3, %get3A_8 : vector<10000x144xf32>
    %slice3A = vector.extract_strided_slice %add3A {offsets = [0, 0], sizes = [10000, 128], strides = [1, 1]} : vector<10000x144xf32> to vector<10000x128xf32>
    %slice3A_9 = vector.extract_strided_slice %add3A {offsets = [0, 128], sizes = [10000, 1], strides = [1, 1]} : vector<10000x144xf32> to vector<10000x1xf32>
    %add3A_10 = arith.constant 1.000000e-16 : f32
    %add3A_11 = vector.broadcast %add3A_10 : f32 to vector<10000x1xf32>
    %add3A_12 = arith.addf %slice3A_9, %add3A_11 : vector<10000x1xf32>
    %div3A = vector.broadcast %add3A_12 : vector<10000x1xf32> to vector<10000x128xf32>
    %div3A_13 = arith.divf %slice3A, %div3A : vector<10000x128xf32>
    %get3A_14 = arith.constant 0 : index
    %get3A_15 = vector.load %arg1[%get3A_14] : memref<128xf32, #tpu.memory_space<vmem>>, vector<128xf32>
    %broadcast_in_dim3A = vector.shape_cast %get3A_15 : vector<128xf32> to vector<1x128xf32>
    %add3A_16 = vector.broadcast %broadcast_in_dim3A : vector<1x128xf32> to vector<10000x128xf32>
    %add3A_17 = arith.addf %div3A_13, %add3A_16 : vector<10000x128xf32>
    %max3A = arith.constant 0.000000e+00 : f32
    %max3A_18 = vector.broadcast %max3A : f32 to vector<10000x128xf32>
    %max3A_19 = arith.maximumf %add3A_17, %max3A_18 : vector<10000x128xf32>
    %get3A_20 = arith.constant 0 : index
    %get3A_21 = vector.load %arg2[%get3A_20] : memref<128xf32, #tpu.memory_space<vmem>>, vector<128xf32>
    %broadcast_in_dim3A_22 = vector.shape_cast %get3A_21 : vector<128xf32> to vector<1x128xf32>
    %min3A = arith.constant 0.000000e+00 : f32
    %min3A_23 = vector.broadcast %min3A : f32 to vector<10000x128xf32>
    %min3A_24 = arith.minimumf %add3A_17, %min3A_23 : vector<10000x128xf32>
    %mul3A = vector.broadcast %broadcast_in_dim3A_22 : vector<1x128xf32> to vector<10000x128xf32>
    %mul3A_25 = arith.mulf %mul3A, %min3A_24 : vector<10000x128xf32>
    %add3A_26 = arith.addf %max3A_19, %mul3A_25 : vector<10000x128xf32>
    %swap3A = arith.constant 0 : index
    %swap3A_27 = arith.constant 0 : index
    %swap3A_28 = vector.load %arg3[%swap3A, %swap3A_27] : memref<10000x128xf32, #tpu.memory_space<vmem>>, vector<10000x128xf32>
    tpu.vector_store %arg3[%swap3A, %swap3A_27], %add3A_26 {strides = array<i32>} : memref<10000x128xf32, #tpu.memory_space<vmem>>, vector<10000x128xf32>,
    return
  }
}

module attributes {stable_mosaic.version = 14 : i64} {
  func.func @_xform_body(%arg0: memref<10000x128xf32, #tpu.memory_space<vmem>>, %arg1: memref<128x128xf32, #tpu.memory_space<vmem>>, %arg2: memref<128xf32, #tpu.memory_space<vmem>>, %arg3: memref<128xf32, #tpu.memory_space<vmem>>, %arg4: memref<10000x128xf32, #tpu.memory_space<vmem>>, %arg5: memref<10000xf32, #tpu.memory_space<vmem>>, %arg6: memref<10000xf32, #tpu.memory_space<vmem>>) attributes {dimension_semantics = [], scalar_prefetch = 0 : i64, scratch_operands = 0 : i64, tpu.core_type = #tpu.core_type<tc>} {
    %get3A = arith.constant 0 : index
    %get3A_0 = arith.constant 0 : index
    %get3A_1 = vector.load %arg0[%get3A, %get3A_0] : memref<10000x128xf32, #tpu.memory_space<vmem>>, vector<10000x128xf32>
    %get3A_2 = arith.constant 0 : index
    %get3A_3 = arith.constant 0 : index
    %get3A_4 = vector.load %arg1[%get3A_2, %get3A_3] : memref<128x128xf32, #tpu.memory_space<vmem>>, vector<128x128xf32>
    %dot_general3A = arith.constant dense<0.000000e+00> : vector<10000x128xf32>
    %dot_general3A_5 = tpu.matmul %get3A_1, %get3A_4, %dot_general3A {dimension_numbers = #tpu.dot_dimension_numbers<[1], [0], [0], [1], [0, 0, 1, 1], [], []>, transpose_lhs_hint = false} : vector<10000x128xf32>, vector<128x128xf32>, vector<10000x128xf32> -> vector<10000x128xf32>
    %swap3A = arith.constant 0 : index
    %swap3A_6 = arith.constant 0 : index
    %swap3A_7 = vector.load %arg4[%swap3A, %swap3A_6] : memref<10000x128xf32, #tpu.memory_space<vmem>>, vector<10000x128xf32>
    tpu.vector_store %arg4[%swap3A, %swap3A_6], %dot_general3A_5 {strides = array<i32>} : memref<10000x128xf32, #tpu.memory_space<vmem>>, vector<10000x128xf32>,
    %get3A_8 = arith.constant 0 : index
    %get3A_9 = vector.load %arg2[%get3A_8] : memref<128xf32, #tpu.memory_space<vmem>>, vector<128xf32>
    %broadcast_in_dim3A = vector.shape_cast %get3A_9 : vector<128xf32> to vector<1x128xf32>
    %mul3A = vector.broadcast %broadcast_in_dim3A : vector<1x128xf32> to vector<10000x128xf32>
    %mul3A_10 = arith.mulf %dot_general3A_5, %mul3A : vector<10000x128xf32>
    %reduce_sum3A = arith.constant dense<0.000000e+00> : vector<10000xf32>
    %reduce_sum3A_11 = vector.multi_reduction <add>, %mul3A_10, %reduce_sum3A [1] : vector<10000x128xf32> to vector<10000xf32>
    %swap3A_12 = arith.constant 0 : index
    %swap3A_13 = vector.load %arg5[%swap3A_12] : memref<10000xf32, #tpu.memory_space<vmem>>, vector<10000xf32>
    tpu.vector_store %arg5[%swap3A_12], %reduce_sum3A_11 {strides = array<i32>} : memref<10000xf32, #tpu.memory_space<vmem>>, vector<10000xf32>,
    %get3A_14 = arith.constant 0 : index
    %get3A_15 = vector.load %arg3[%get3A_14] : memref<128xf32, #tpu.memory_space<vmem>>, vector<128xf32>
    %broadcast_in_dim3A_16 = vector.shape_cast %get3A_15 : vector<128xf32> to vector<1x128xf32>
    %mul3A_17 = vector.broadcast %broadcast_in_dim3A_16 : vector<1x128xf32> to vector<10000x128xf32>
    %mul3A_18 = arith.mulf %dot_general3A_5, %mul3A_17 : vector<10000x128xf32>
    %reduce_sum3A_19 = arith.constant dense<0.000000e+00> : vector<10000xf32>
    %reduce_sum3A_20 = vector.multi_reduction <add>, %mul3A_18, %reduce_sum3A_19 [1] : vector<10000x128xf32> to vector<10000xf32>
    %swap3A_21 = arith.constant 0 : index
    %swap3A_22 = vector.load %arg6[%swap3A_21] : memref<10000xf32, #tpu.memory_space<vmem>>, vector<10000xf32>
    tpu.vector_store %arg6[%swap3A_21], %reduce_sum3A_20 {strides = array<i32>} : memref<10000xf32, #tpu.memory_space<vmem>>, vector<10000xf32>,
    return
  }
}

</mosaic_0001>

<sc_bundles>
// kernel: kernel.5.cloned.1.call-start
scs
__scs_entry_jumppad:
0x0: {  	(pc) =	sbr.rel $0x88, $3  }
0x1: {  	(tag) =	ssettag $0x0;
	lr =	simm.s32 $0x1  }
0x2: {  	[smem:$0x3F9A] =	sst lr;
	_ =	strace $0xD0000000  }
0x3: {  	_ = 	snop  }
0x4: {  	_ = 	snop  }
0x5: {  	_ = 	snop  }
0x6: {  	_ = 	snop  }
0x7: {  	_ = 	snop  }
__scs_overlays_trampoline_lowered:
0x8: {  	[smem:$0x3FA9] =	sst s0  }
0x9: {  	[smem:$0x3FAA] =	sst s1  }
0xa: {  	[smem:$0x3FAB] =	sst s2  }
0xb: {  	[smem:$0x3FAC] =	sst s3  }
0xc: {  	[smem:$0x3FAD] =	sst s4  }
0xd: {  	[smem:$0x3FAE] =	sst s5  }
0xe: {  	[smem:$0x3FAF] =	sst s6  }
0xf: {  	[smem:$0x3FB0] =	sst s7  }
0x10: {  	[smem:$0x3FB1] =	sst s8  }
0x11: {  	[smem:$0x3FB2] =	sst s9;
	s0 =	simm.s32 @!p0 $0x0  }
0x12: {  	s1 =	sld [smem:$0x3F98];
	s0 =	simm.s32 @p0 $0x1  }
0x13: {  	[smem:$0x3FB3] =	sst s0;
	s0 =	simm.s32 @!p1 $0x0  }
0x14: {  	s2 =	sld [smem:$0x3F97];
	s0 =	simm.s32 @p1 $0x1  }
0x15: {  	[smem:$0x3FB4] =	sst s0;
	s0 =	simm.s32 @!p2 $0x0  }
0x16: {  	s3 =	sld [smem:$0x3FDB];
	s0 =	simm.s32 @p2 $0x1  }
0x17: {  	s4 =	simm.s32 $0x1BF5;
	[smem:$0x3FB6] =	sst s0  }
0x18: {  	s0 =	sld [smem:$0x3F99];
	_ =	swait.ge [sflag:s4], $0x0  }
0x19: {  	s7 =	sld [smem:$0x3F9A]  }
0x1a: {  	s8 =	sadd.s32 $0xFFFFE003, lr  }
0x1b: {  	s9 =	sadd.s32 $0xFFFFFEF7, lr;
	s5 =	simm.s32 $0xFFFFFFFF;
	p2 =	slt.u32 s8, $0xFFFFF086  }
0x1c: {  	p1 =	slt.u32 s9, $0xF7A;
	s5 =	simm.s32 @!p2 $0x0  }
0x1d: {  	s5 =	simm.s32 @p1 $0x1;
	p0 =	seq.s32 s7, s2  }
0x1e: {  	s7 =	smul.u32 @!p0 $0xF7A, s2;
	p2 =	seq.s32 @!p0 s5, $0x0  }
0x1f: {  	s9 =	smul.u32 $0xF7A, s1;
	s8 =	simm.s32 @!p0 $0x1BF5;
	p2 =	por !p2, p0  }
0x20: {  	[sflag:s8] =	ssyncset.s32 @!p0 $0xFFFFF086;
	s6 =	sadd.s32 @!p0 s3, s7;
	s7 =	simm.s32 @!p0 $0x108  }
0x21: {  	s3 =	sadd.s32 s3, s9;
	s6 =	sadd.s32 @!p0 $0x88, s6;
	s7 =	simm.s32 @p2 $0x1082  }
0x22: {  	[simem:s7], [sflag:s8] =	dma.local @!p0 [hbm:s6], $0xF7A  }
0x23: {  	s9 =	sor.u32 $0xD0000000, s2;
	s6 =	simm.s32 $0x108;
	_ =	swait.ge @!p0 [sflag:s8], $0x0  }
0x24: {  	s3 =	sadd.s32 $0x88, s3;
	s6 =	simm.s32 @!p1 $0x1082;
	[sflag:s4] =	ssyncset.s32 $0xFFFFF086  }
0x25: {  	[simem:s6], [sflag:s4] =	dma.local [hbm:s3], $0xF7A  }
0x26: {  	[smem:$0x3F9A] =	sst s1;
	(tag) =	ssettag s2;
	_ =	strace s9  }
0x27: {  	s1 =	sld [smem:$0x3FAA]  }
0x28: {  	s2 =	sld [smem:$0x3FAB]  }
0x29: {  	s4 =	sld [smem:$0x3FAD]  }
0x2a: {  	p0 =	seq.s32 s5, $0x0;
	s5 =	sld [smem:$0x3FAE]  }
0x2b: {  	s6 =	sld [smem:$0x3FAF]  }
0x2c: {  	s7 =	sld [smem:$0x3FB0]  }
0x2d: {  	s3 =	simm.s32 $0x108;
	s8 =	sld [smem:$0x3FB1]  }
0x2e: {  	s3 =	simm.s32 @!p0 $0x1082;
	s9 =	sld [smem:$0x3FB2]  }
0x2f: {  	lr =	sadd.s32 s0, s3;
	s0 =	sld [smem:$0x3FA9]  }
0x30: {  	s3 =	sld [smem:$0x3FAC]  }
0x31: {  	[smem:$0x3FB5] =	sst s10  }
0x32: {  	s10 =	sld [smem:$0x3FB3];
	_ =	sdelay $0x3  }
0x33: {  	p0 =	seq.s32 s10, $0x1;
	s10 =	sld [smem:$0x3FB5];
	_ =	sdelay $0x3  }
0x34: {  	[smem:$0x3FB5] =	sst s10  }
0x35: {  	s10 =	sld [smem:$0x3FB4];
	_ =	sdelay $0x3  }
0x36: {  	p1 =	seq.s32 s10, $0x1;
	s10 =	sld [smem:$0x3FB5];
	_ =	sdelay $0x3  }
0x37: {  	[smem:$0x3FB5] =	sst s10  }
0x38: {  	s10 =	sld [smem:$0x3FB6]  }
0x39: {  	_ = 	snop;
	(pc) =	sbr.ind lr, $3  }
0x3a: {  	_ = 	snop  }
0x3b: {  	_ = 	snop  }
0x3c: {  	p2 =	seq.s32 s10, $0x1;
	s10 =	sld [smem:$0x3FB5]  }
0x3d: {  	_ =	shalt  }
0x3e: {  	_ =	shalt  }
0x3f: {  	_ =	shalt  }
0x40: {  	_ =	shalt  }
0x41: {  	_ =	shalt  }
0x42: {  	_ =	shalt  }
0x43: {  	_ =	shalt  }
0x44: {  	_ =	shalt  }
0x45: {  	_ =	shalt  }
0x46: {  	_ =	shalt  }
0x47: {  	_ =	shalt  }
0x48: {  	_ =	shalt  }
0x49: {  	_ =	shalt  }
0x4a: {  	_ =	shalt  }
0x4b: {  	_ =	shalt  }
0x4c: {  	_ =	shalt  }
0x4d: {  	_ =	shalt  }
0x4e: {  	_ =	shalt  }
0x4f: {  	_ =	shalt  }
0x50: {  	_ =	shalt  }
0x51: {  	_ =	shalt  }
0x52: {  	_ =	shalt  }
0x53: {  	_ =	shalt  }
0x54: {  	_ =	shalt  }
0x55: {  	_ =	shalt  }
0x56: {  	_ =	shalt  }
0x57: {  	_ =	shalt  }
0x58: {  	_ =	shalt  }
0x59: {  	_ =	shalt  }
0x5a: {  	_ =	shalt  }
0x5b: {  	_ =	shalt  }
0x5c: {  	_ =	shalt  }
0x5d: {  	_ =	shalt  }
0x5e: {  	_ =	shalt  }
0x5f: {  	_ =	shalt  }
0x60: {  	_ =	shalt  }
0x61: {  	_ =	shalt  }
0x62: {  	_ =	shalt  }
0x63: {  	_ =	shalt  }
0x64: {  	_ =	shalt  }
0x65: {  	_ =	shalt  }
0x66: {  	_ =	shalt  }
0x67: {  	_ =	shalt  }
0x68: {  	_ =	shalt  }
0x69: {  	_ =	shalt  }
0x6a: {  	_ =	shalt  }
0x6b: {  	_ =	shalt  }
0x6c: {  	_ =	shalt  }
0x6d: {  	_ =	shalt  }
0x6e: {  	_ =	shalt  }
0x6f: {  	_ =	shalt  }
0x70: {  	_ =	shalt  }
0x71: {  	_ =	shalt  }
0x72: {  	_ =	shalt  }
0x73: {  	_ =	shalt  }
0x74: {  	_ =	shalt  }
0x75: {  	_ =	shalt  }
0x76: {  	_ =	shalt  }
0x77: {  	_ =	shalt  }
0x78: {  	_ =	shalt  }
0x79: {  	_ =	shalt  }
0x7a: {  	_ =	shalt  }
0x7b: {  	_ =	shalt  }
0x7c: {  	_ =	shalt  }
0x7d: {  	_ =	shalt  }
0x7e: {  	_ =	shalt  }
0x7f: {  	_ =	shalt  }
0x80: {  	_ =	shalt  }
0x81: {  	_ =	shalt  }
0x82: {  	_ =	shalt  }
0x83: {  	_ =	shalt  }
0x84: {  	_ =	shalt  }
0x85: {  	_ =	shalt  }
0x86: {  	_ =	shalt  }
0x87: {  	_ =	shalt  }
.Lfunc_end0:
.L_simem_size_0:
called_computation_lowered:
.L_overlay_start_0:
0x88: {  	s2 =	sld [smem:$0x3FD9]  }
0x89: {  	s3 =	sld [smem:$0x3FFE];
	_ =	sdelay $0x1  }
0x8a: {  	s1 =	srdreg.scid  }
0x8b: {  	s0 =	sand.u32 $0x1, s1  }
0x8c: {  	s17 =	sshll.u32 s0, $0xA;
	s2 =	sadd.s32 s3, s2  }
0x8d: {  	s2 =	sadd.s32 s2, s17  }
0x8e: {  	[smem:$0x3FC1] =	sst s2  }
0x8f: {  	_ = 	snop  }
0x90: {  	s2 =	sld [smem:$0x3FD0];
	(tm) =	ssettm $0x1  }
0x91: {  	s18 =	sld [smem:$0x3FFB];
	_ =	sdelay $0x3  }
0x92: {  	_ =	strace s18  }
0x93: {  	s3 =	sld [smem:$0x3FFC];
	_ =	sdelay $0x3  }
0x94: {  	_ =	strace s3  }
0x95: {  	s3 =	sld [smem:$0x3FFD];
	_ =	sdelay $0x3  }
0x96: {  	_ =	strace s3  }
0x97: {  	_ =	strace $0x8FFFFFFF  }
0x98: {  	s19 =	sld [smem:$0x3FDB];
	_ =	sdelay $0x1  }
0x99: {  	s4 =	simm.s32 $_scs_section_size  }
0x9a: {  	s5 =	simm.s32 $_size__tile_overlayer_lowered;
	s6 =	simm.s32 $_tile_overlayer_lowered  }
0x9b: {  	s22 =	simm.s32 $0x1BFF;
	s21 =	sshll.u32 s6, $0x1;
	s3 =	sadd.s32 s4, s19  }
0x9c: {  	s7 =	simm.s32 $0x0;
	s20 =	sshll.u32 s5, $0x1;
	s5 =	sadd.s32 s21, s3  }
0x9d: {  	[timem:s7], [sflag:s22] =	dma.local [hbm:s5], s20  }
0x9e: {  	_ =	swait.ge [sflag:s22], s20  }
0x9f: {  	s4 =	ssub.s32 $0x0, s20;
	[sflag:s22] =	ssyncset.done $0x0  }
0xa0: {  	[sflag:s22] =	ssyncadd.s32 s4;
	_ =	sdelay $0x1  }
0xa1: {  	s23 =	simm.s32 $0x1B8B  }
0xa2: {  	_ =	swait.ge [sflag:s23], $0x1  }
0xa3: {  	[sflag:s23] =	ssyncset.done $0x0  }
0xa4: {  	s25 =	simm.s32 $0x1B8E;
	s24 =	sld [smem:$0x3FFE];
	[sflag:s23] =	ssyncadd.s32 $0xFFFFFFFF  }
0xa5: {  	s26 =	simm.s32 $execute0_lowered;
	[smem:$0x3FD2] =	sst s25  }
0xa6: {  	s5 =	sshll.u32 s26, $0x1;
	_ =	strace $0x80000046;
	[dreg:$0x1] =	wrdreg $0xFFFFFFFF  }
0xa7: {  	s28 =	simm.s32 $_size_execute0_lowered;
	s3 =	sadd.s32 s3, s5;
	[dreg:$0x0] =	wrdreg $0x0  }
0xa8: {  	s5 =	sshll.u32 s28, $0x1;
	[dreg:$0x2] =	wrdreg s3  }
0xa9: {  	[dreg:$0x3] =	wrdreg s5  }
0xaa: {  	[dreg:$0x4] =	wrdreg $0xC0  }
0xab: {  	_ =	task [dreg:s7], $0x5FFFF  }
0xac: {  	[dreg:$0x1] =	wrdreg $0xFFFFFFFF  }
0xad: {  	[dreg:$0x0] =	wrdreg $0x60  }
0xae: {  	[dreg:$0x2] =	wrdreg s24  }
0xaf: {  	[dreg:$0x3] =	wrdreg s2  }
0xb0: {  	[dreg:$0x4] =	wrdreg $0x93000  }
0xb1: {  	[dreg:$0x5] =	wrdreg $0x9  }
0xb2: {  	_ =	task.clear_ibuf [dreg:s7], $0x6FFFF;
	_ =	strace $0x90000046  }
0xb3: {  	s29 =	simm.s32 $0x9;
	_ =	strace $0x80000048  }
0xb4: {  	_ =	swait.ge [sflag:s29], $0x1  }
0xb5: {  	[sflag:s29] =	ssyncadd.s32 $0xFFFFFFFF  }
0xb6: {  	_ =	strace $0x90000048  }
0xb7: {  	_ =	sfence  }
0xb8: {  	s30 =	sld [smem:$0x0];
	_ =	sdelay $0x2  }
0xb9: {  	s31 =	sshll.u32 s1, $0xD;
	s1 =	sshrl.u32 s1, $0x2  }
0xba: {  	s3 =	sand.u32 $0x4000, s31;
	s1 =	sadd.s32 s1, s30  }
0xbb: {  	s0 =	sor.u32 s3, s0;
	s1 =	sshll.u32 s1, $0x11  }
0xbc: {  	s0 =	sor.u32 s1, s0  }
0xbd: {  	s0 =	sadd.s32 $0x8F2B, s0  }
0xbe: {  	[sflag:s0] =	ssyncadd.remote.s32 $0x1  }
0xbf: {  	_ =	sfence.sel $0xFFFF  }
0xc0: {  	[dreg:$0x0] =	wrdreg $0xFFFFFFFF;
	(pc) =	sbr.abs _section_cstart, $3  }
0xc1: {  	[dreg:$0x1] =	wrdreg $0xFFFFFFFF  }
0xc2: {  	_ =	task.clear_ibuf [dreg:s7], $0x2FFFF;
	_ =	strace $0x9FFFFFFF  }
0xc3: {  	(tm) =	ssettm $0x7FFFFFFF  }
tec
execute0_lowered:
.L_overlay_start_1:
0x0: {  	(tag) =	ssettag $0x1  }
0x1: {  	s0 =	rddreg [dreg:$0x0]  }
0x2: {  	s1 =	rddreg [dreg:$0x1]  }
0x3: {  	s2 =	rddreg [dreg:$0x2]  }
0x4: {  	s4 =	simm.s32 $0x0;
	s3 =	srdreg.scid;
	s9 =	stileid.u32  }
0x5: {  	s24 =	simm.s32 $0x2;
	s28 =	simm.s32 $0x6F00;
	s29 =	simm.s32 $0x4E20  }
0x6: {  	s30 =	simm.s32 $0x4E60;
	s31 =	simm.s32 $0x40;
	[smem:$0x7FF] =	sst s4  }
0x7: {  	s3 =	sand.u32 $0x1, s3;
	s5 =	sadd.s32 $0xAE00, s0;
	s7 =	smul.u32 $0x15F90, s9  }
0x8: {  	s6 =	sadd.s32 $0x1000, s0;
	s8 =	sadd.s32 $0x14C00, s0;
	s11 =	sadd.s32 $0x15200, s0  }
0x9: {  	s10 =	sshll.u32 s9, $0x1;
	s26 =	smul.u32 $0x15F900, s3;
	_ =	strace $0x80000047  }
0xa: {  	[dreg:$0x4] =	wrdreg s8;
	s8 =	sor.u32 s3, s10;
	s10 =	smul.u32 $0x57E40, s9  }
0xb: {  	[dreg:$0x5] =	wrdreg s11;
	s3 =	ssub.s32 $0x2, s3;
	s11 =	simm.s32 $0x10  }
0xc: {  	s9 =	smul.u32 $0x2710, s8;
	s13 =	sshrl.u32 s3, $0x1;
	s17 =	sadd.s32 s7, s2  }
0xd: {  	s8 =	simm.s32 $0x4EB0;
	s4 =	sadd.s32 s7, s26;
	s12 =	sshrl.u32 s10, $0x2  }
0xe: {  	s3 =	ssub.s32 s3, s13;
	s7 =	simm.s32 $0x4EA0;
	s4 =	sshrl.u32 s4, $0x3  }
0xf: {  	s10 =	sadd.s32 s12, s2;
	s14 =	sshrl.u32 s9, $0x3;
	s3 =	smax.u32 s3, $0x1  }
0x10: {  	s12 =	simm.s32 $0x0;
	s0 =	sadd.s32 s4, s0;
	s15 =	sadd.s32 $0x14400, s10  }
0x11: {  	s4 =	sadd.s32 $0x4E0, s14;
	[dreg:$0xa] =	wrdreg s3;
	s25 =	sadd.s32 $0x2400, s10  }
0x12: {  	s26 =	sadd.s32 $0x4800, s10;
	s18 =	sadd.s32 $0x6C00, s10;
	s19 =	sadd.s32 $0x9000, s10  }
0x13: {  	s20 =	sadd.s32 $0xB400, s10;
	s21 =	sadd.s32 $0xD800, s10;
	[dreg:$0x6] =	wrdreg s15  }
0x14: {  	s22 =	sadd.s32 $0xFC00, s10;
	s23 =	sadd.s32 $0x12000, s10;
	[dreg:$0xb] =	wrdreg s25  }
0x15: {  	s3 =	simm.s32 $0x1;
	s16 =	sadd.s32 s5, s4;
	[dreg:$0xc] =	wrdreg s26  }
0x16: {  	s4 =	sadd.s32 s6, s4;
	s0 =	sadd.s32 $0x15800, s0;
	[dreg:$0x7] =	wrdreg s16  }
0x17: {  	s25 =	sshrl.u32 s17, $0x3;
	s26 =	simm.s32 $0x2710;
	[dreg:$0x8] =	wrdreg s4  }
0x18: {  	v0 =	vimm.f32 $0.0e+00;
	vm0 =	vmmov $0x1;
	[dreg:$0x9] =	wrdreg s0;
	s0 =	simm.s32 $0x4F00;
	s4 =	simm.s32 $0x4EC0  }
.LBB2_1:
0x19: {  	s13 =	simm.s32 $0x0;
	s14 =	rddreg [dreg:$0x4]  }
0x1a: {  	[tilespmem:s13], [sflag:$0x2] =	stream.linear.gather [hbm4b:s14+s13], $0x2710, $0x38;
	[tilespmem:$0x1F290] =	vst v63  }
0x1b: {  	_ =	swait.ge [sflag:s24], $0x2710  }
0x1c: {  	[sflag:s24] =	ssyncset.done $0x0  }
0x1d: {  	s17 =	rddreg [dreg:$0x5];
	[sflag:s24] =	ssyncadd.s32 $0xFFFFD8F0  }
0x1e: {  	[tilespmem:s26], [sflag:$0x2] =	stream.linear.gather [hbm4b:s17+s13], $0x2710, $0x38;
	[tilespmem:$0x1F290] =	vst v63  }
0x1f: {  	_ =	swait.ge [sflag:s24], $0x2710  }
0x20: {  	[sflag:s24] =	ssyncset.done $0x0  }
0x21: {  	s14 =	simm.s32 $0x240;
	s13 =	simm.s32 $0x0;
	[sflag:s24] =	ssyncadd.s32 $0xFFFFD8F0  }
.LBB2_2:
0x22: {  	p0 =	sne.s32 s14, $0x8DC0;
	[tilespmem:s13+$0x6F80] =	vst v0  }
0x23: {  	[tilespmem:s13+$0x6F00] =	vst v0  }
0x24: {  	[tilespmem:s13+$0x6F10] =	vst v0  }
0x25: {  	[tilespmem:s13+$0x6F20] =	vst v0  }
.Ltmp0:
0x26: {  	[tilespmem:s13+$0x6F30] =	vst v0;
	(pc) =	sbr.rel @p0 .LBB2_2-.Ltmp0, $4  }
0x27: {  	[tilespmem:s13+$0x6F40] =	vst v0  }
0x28: {  	[tilespmem:s13+$0x6F50] =	vst v0  }
0x29: {  	[tilespmem:s13+$0x6F60] =	vst v0  }
0x2a: {  	[tilespmem:s13+$0x6F70] =	vst v0;
	s13 =	sshra.s32 s14, $0x2;
	s14 =	sadd.s32 $0x240, s14  }
0x2b: {  	[tilespmem:s13+$0x6F80] =	vst v0  }
0x2c: {  	[tilespmem:s13+$0x6F00] =	vst v0  }
0x2d: {  	[tilespmem:s13+$0x6F10] =	vst v0  }
0x2e: {  	[tilespmem:s13+$0x6F20] =	vst v0  }
0x2f: {  	[tilespmem:s13+$0x6F30] =	vst v0  }
0x30: {  	[tilespmem:s13+$0x6F40] =	vst v0  }
0x31: {  	[tilespmem:s13+$0x6F50] =	vst v0  }
0x32: {  	[tilespmem:s13+$0x6F60] =	vst v0  }
0x33: {  	[tilespmem:s13+$0x6F70] =	vst v0  }
0x34: {  	[spmem:s10] =	stream.linear.scatter [tilespmem:s28], [sflag:$0x2], $0x2400, $0x38;
	[tilespmem:$0x1F290] =	vst v63  }
0x35: {  	_ =	swait.ge [sflag:s24], $0x2400  }
0x36: {  	[sflag:s24] =	ssyncset.done $0x0  }
0x37: {  	s15 =	rddreg [dreg:$0xb];
	[sflag:s24] =	ssyncadd.s32 $0xFFFFDC00  }
0x38: {  	[spmem:s15] =	stream.linear.scatter [tilespmem:s28], [sflag:$0x2], $0x2400, $0x38;
	[tilespmem:$0x1F290] =	vst v63  }
0x39: {  	_ =	swait.ge [sflag:s24], $0x2400  }
0x3a: {  	[sflag:s24] =	ssyncset.done $0x0  }
0x3b: {  	s16 =	rddreg [dreg:$0xc];
	[sflag:s24] =	ssyncadd.s32 $0xFFFFDC00  }
0x3c: {  	[spmem:s16] =	stream.linear.scatter [tilespmem:s28], [sflag:$0x2], $0x2400, $0x38;
	[tilespmem:$0x1F290] =	vst v63  }
0x3d: {  	_ =	swait.ge [sflag:s24], $0x2400  }
0x3e: {  	[sflag:s24] =	ssyncset.done $0x0  }
0x3f: {  	[sflag:s24] =	ssyncadd.s32 $0xFFFFDC00  }
0x40: {  	[spmem:s18] =	stream.linear.scatter [tilespmem:s28], [sflag:$0x2], $0x2400, $0x38;
	[tilespmem:$0x1F290] =	vst v63  }
0x41: {  	_ =	swait.ge [sflag:s24], $0x2400  }
0x42: {  	[sflag:s24] =	ssyncset.done $0x0  }
0x43: {  	[sflag:s24] =	ssyncadd.s32 $0xFFFFDC00  }
0x44: {  	[spmem:s19] =	stream.linear.scatter [tilespmem:s28], [sflag:$0x2], $0x2400, $0x38;
	[tilespmem:$0x1F290] =	vst v63  }
0x45: {  	_ =	swait.ge [sflag:s24], $0x2400  }
0x46: {  	[sflag:s24] =	ssyncset.done $0x0  }
0x47: {  	[sflag:s24] =	ssyncadd.s32 $0xFFFFDC00  }
0x48: {  	[spmem:s20] =	stream.linear.scatter [tilespmem:s28], [sflag:$0x2], $0x2400, $0x38;
	[tilespmem:$0x1F290] =	vst v63  }
0x49: {  	_ =	swait.ge [sflag:s24], $0x2400  }
0x4a: {  	[sflag:s24] =	ssyncset.done $0x0  }
0x4b: {  	[sflag:s24] =	ssyncadd.s32 $0xFFFFDC00  }
0x4c: {  	[spmem:s21] =	stream.linear.scatter [tilespmem:s28], [sflag:$0x2], $0x2400, $0x38;
	[tilespmem:$0x1F290] =	vst v63  }
0x4d: {  	_ =	swait.ge [sflag:s24], $0x2400  }
0x4e: {  	[sflag:s24] =	ssyncset.done $0x0  }
0x4f: {  	[sflag:s24] =	ssyncadd.s32 $0xFFFFDC00  }
0x50: {  	[spmem:s22] =	stream.linear.scatter [tilespmem:s28], [sflag:$0x2], $0x2400, $0x38;
	[tilespmem:$0x1F290] =	vst v63  }
0x51: {  	_ =	swait.ge [sflag:s24], $0x2400  }
0x52: {  	[sflag:s24] =	ssyncset.done $0x0  }
0x53: {  	[sflag:s24] =	ssyncadd.s32 $0xFFFFDC00  }
0x54: {  	[spmem:s23] =	stream.linear.scatter [tilespmem:s28], [sflag:$0x2], $0x2400, $0x38;
	[tilespmem:$0x1F290] =	vst v63  }
0x55: {  	_ =	swait.ge [sflag:s24], $0x2400  }
0x56: {  	[sflag:s24] =	ssyncset.done $0x0  }
0x57: {  	s17 =	rddreg [dreg:$0x6];
	[sflag:s24] =	ssyncadd.s32 $0xFFFFDC00  }
0x58: {  	[spmem:s17] =	stream.linear.scatter [tilespmem:s28], [sflag:$0x2], $0x1B90, $0x38;
	[tilespmem:$0x1F290] =	vst v63  }
0x59: {  	_ =	swait.ge [sflag:s24], $0x1B90  }
0x5a: {  	[sflag:s24] =	ssyncset.done $0x0  }
0x5b: {  	[sflag:s24] =	ssyncadd.s32 $0xFFFFE470  }
0x5c: {  	s13 =	simm.s32 $0x0;
	s14 =	simm.s32 $0x0;
	[bflag:$0x0] =	sbarrier.arrive $0xFFFF  }
.LBB2_4:
0x5d: {  	s15 =	sshll.u32 s14, $0x6  }
0x5e: {  	s15 =	sadd.s32 s9, s15  }
0x5f: {  	s15 =	sshrl.u32 s15, $0x3  }
0x60: {  	s16 =	sadd.s32 s5, s15  }
0x61: {  	[tilespmem:s29], [sflag:$0x2] =	stream.linear.gather [hbm4b:s16+s13], $0x40, $0x38;
	[tilespmem:$0x1F290] =	vst v63  }
0x62: {  	_ =	swait.ge [sflag:s24], $0x40  }
0x63: {  	[sflag:s24] =	ssyncset.done $0x0  }
0x64: {  	s15 =	sadd.s32 s6, s15;
	[sflag:s24] =	ssyncadd.s32 $0xFFFFFFC0  }
0x65: {  	[tilespmem:s30], [sflag:$0x2] =	stream.linear.gather [hbm4b:s15+s13], $0x40, $0x38;
	[tilespmem:$0x1F290] =	vst v63  }
0x66: {  	_ =	swait.ge [sflag:s24], $0x40  }
0x67: {  	[sflag:s24] =	ssyncset.done $0x0  }
0x68: {  	[sflag:s24] =	ssyncadd.s32 $0xFFFFFFC0  }
0x69: {  	[tilespmem:s0], [sflag:$0x1] =	stream.indirect.gather [hbm4b:s1+s31], $0x80, s29, s31, $0xb8;
	[tilespmem:$0x1F290] =	vst v63  }
0x6a: {  	v1 =	vld [tilespmem:$0x4E20]  }
0x6b: {  	v2 =	vld [tilespmem:$0x4E60];
	_ =	sdelay $0x6  }
0x6c: {  	v1 =	vld.idx.msk [tilespmem:v1+s13+$0x0], $0xffff  }
0x6d: {  	v2 =	vld.idx.msk [tilespmem:v2+s26+$0x0], $0xffff;
	_ =	sdelay $0x4  }
0x6e: {  	v1 =	vadd.f32 v2, v1;
	_ =	sdelay $0x1  }
0x6f: {  	v2 =	vmul.f32 $2.000000030e-01, v1  }
0x70: {  	vm1 =	vgt.f32 v1, $0.0e+00  }
0x71: {  	v1 =	vsel vm1, v1, v2  }
0x72: {  	v1 =	vmul.f32 $1.442695020e+00, v1;
	_ =	sdelay $0x1  }
0x73: {  	(erf) = vpow2.f32 v1;
	_ =	sdelay $0x2  }
0x74: {  	v1 =	vld [tilespmem:$0x4E30]  }
0x75: {  	v2 =	vld [tilespmem:$0x4E70];
	_ =	sdelay $0x4  }
0x76: {  	v3 =	vpop (erf)  }
0x77: {  	[tilespmem:$0x4EC0] =	vst v3  }
0x78: {  	v1 =	vld.idx.msk [tilespmem:v1+s13+$0x0], $0xffff  }
0x79: {  	v2 =	vld.idx.msk [tilespmem:v2+s26+$0x0], $0xffff;
	_ =	sdelay $0x4  }
0x7a: {  	v1 =	vadd.f32 v2, v1;
	_ =	sdelay $0x1  }
0x7b: {  	v2 =	vmul.f32 $2.000000030e-01, v1  }
0x7c: {  	vm1 =	vgt.f32 v1, $0.0e+00  }
0x7d: {  	v1 =	vsel vm1, v1, v2  }
0x7e: {  	v1 =	vmul.f32 $1.442695020e+00, v1;
	_ =	sdelay $0x1  }
0x7f: {  	(erf) = vpow2.f32 v1;
	_ =	sdelay $0x2  }
0x80: {  	v1 =	vld [tilespmem:$0x4E40]  }
0x81: {  	v2 =	vld [tilespmem:$0x4E80];
	_ =	sdelay $0x4  }
0x82: {  	v3 =	vpop (erf)  }
0x83: {  	[tilespmem:$0x4ED0] =	vst v3  }
0x84: {  	v1 =	vld.idx.msk [tilespmem:v1+s13+$0x0], $0xffff  }
0x85: {  	v2 =	vld.idx.msk [tilespmem:v2+s26+$0x0], $0xffff;
	_ =	sdelay $0x4  }
0x86: {  	v1 =	vadd.f32 v2, v1;
	_ =	sdelay $0x1  }
0x87: {  	v2 =	vmul.f32 $2.000000030e-01, v1  }
0x88: {  	vm1 =	vgt.f32 v1, $0.0e+00  }
0x89: {  	v1 =	vsel vm1, v1, v2  }
0x8a: {  	v1 =	vmul.f32 $1.442695020e+00, v1;
	_ =	sdelay $0x1  }
0x8b: {  	(erf) = vpow2.f32 v1;
	_ =	sdelay $0x2  }
0x8c: {  	v1 =	vld [tilespmem:$0x4E50]  }
0x8d: {  	v2 =	vld [tilespmem:$0x4E90];
	_ =	sdelay $0x4  }
0x8e: {  	v3 =	vpop (erf)  }
0x8f: {  	[tilespmem:$0x4EE0] =	vst v3  }
0x90: {  	v1 =	vld.idx.msk [tilespmem:v1+s13+$0x0], $0xffff  }
0x91: {  	v2 =	vld.idx.msk [tilespmem:v2+s26+$0x0], $0xffff;
	_ =	sdelay $0x4  }
0x92: {  	v1 =	vadd.f32 v2, v1;
	_ =	sdelay $0x1  }
0x93: {  	v2 =	vmul.f32 $2.000000030e-01, v1  }
0x94: {  	vm1 =	vgt.f32 v1, $0.0e+00  }
0x95: {  	v1 =	vsel vm1, v1, v2  }
0x96: {  	v1 =	vmul.f32 $1.442695020e+00, v1;
	_ =	sdelay $0x1  }
0x97: {  	(erf) = vpow2.f32 v1;
	_ =	sdelay $0x8  }
0x98: {  	v2 =	vmov s13;
	v1 =	vpop (erf)  }
0x99: {  	[tilespmem:$0x4EF0] =	vst v1  }
0x9a: {  	_ =	swait.ge [sflag:s3], $0x2000  }
0x9b: {  	[sflag:s3] =	ssyncset.done $0x0  }
0x9c: {  	[sflag:s3] =	ssyncadd.s32 $0xFFFFE000  }
0x9d: {  	s15 =	simm.s32 $0x4F40;
	v1 =	vld.idx.msk [tilespmem:v2+s4+$0x0], $0xffff  }
0x9e: {  	v2 =	vld [tilespmem:s15+$0xFFFFFFC0];
	_ =	sdelay $0x4  }
0x9f: {  	v2 =	vmul.f32 v2, v1  }
0xa0: {  	s16 =	simm.s32 $0x6F40  }
0xa1: {  	[tilespmem:s16+$0xFFFFFFC0] =	vst v2  }
0xa2: {  	v2 =	vld [tilespmem:s15+$0xFFFFFFD0];
	_ =	sdelay $0x4  }
0xa3: {  	v2 =	vmul.f32 v2, v1;
	_ =	sdelay $0x1  }
0xa4: {  	[tilespmem:s16+$0xFFFFFFD0] =	vst v2  }
0xa5: {  	v2 =	vld [tilespmem:s15+$0xFFFFFFE0];
	_ =	sdelay $0x4  }
0xa6: {  	v2 =	vmul.f32 v2, v1;
	_ =	sdelay $0x1  }
0xa7: {  	[tilespmem:s16+$0xFFFFFFE0] =	vst v2  }
0xa8: {  	v2 =	vld [tilespmem:s15+$0xFFFFFFF0];
	_ =	sdelay $0x4  }
0xa9: {  	v2 =	vmul.f32 v2, v1;
	_ =	sdelay $0x1  }
0xaa: {  	[tilespmem:s16+$0xFFFFFFF0] =	vst v2  }
0xab: {  	v2 =	vld [tilespmem:s15+$0x0];
	_ =	sdelay $0x4  }
0xac: {  	v2 =	vmul.f32 v2, v1;
	_ =	sdelay $0x1  }
0xad: {  	[tilespmem:s16+$0x0] =	vst v2  }
0xae: {  	v2 =	vld [tilespmem:s15+$0x10];
	_ =	sdelay $0x4  }
0xaf: {  	v2 =	vmul.f32 v2, v1;
	_ =	sdelay $0x1  }
0xb0: {  	[tilespmem:s16+$0x10] =	vst v2  }
0xb1: {  	v2 =	vld [tilespmem:s15+$0x20];
	_ =	sdelay $0x4  }
0xb2: {  	v2 =	vmul.f32 v2, v1;
	_ =	sdelay $0x1  }
0xb3: {  	[tilespmem:s16+$0x20] =	vst v2  }
0xb4: {  	v2 =	vld [tilespmem:s15+$0x30];
	_ =	sdelay $0x1  }
0xb5: {  	s17 =	simm.s32 $0x1;
	v3 =	vnsel vm0, $0x0, v1  }
0xb6: {  	[tilespmem:s16+$0x40] =	vst v3;
	v3 =	vmov s17;
	s17 =	simm.s32 $0x2  }
.LBB2_5:
0xb7: {  	p0 =	sne.s32 s17, $0x3F  }
0xb8: {  	v1 =	vmul.f32 v2, v1;
	_ =	sdelay $0x1  }
0xb9: {  	[tilespmem:s16+$0x30] =	vst v1  }
0xba: {  	s15 =	sadd.s32 $0x80, s15;
	v1 =	vld.idx.msk [tilespmem:v3+s4+$0x0], $0xffff  }
0xbb: {  	v2 =	vld [tilespmem:s15+$0xFFFFFFC0];
	_ =	sdelay $0x4  }
0xbc: {  	v3 =	vnsel vm0, $0x0, v1;
	v2 =	vmul.f32 v2, v1  }
0xbd: {  	s16 =	sadd.s32 $0x90, s16  }
0xbe: {  	[tilespmem:s16+$0xFFFFFFC0] =	vst v2  }
0xbf: {  	v2 =	vld [tilespmem:s15+$0xFFFFFFD0];
	_ =	sdelay $0x4  }
0xc0: {  	v2 =	vmul.f32 v2, v1;
	_ =	sdelay $0x1  }
0xc1: {  	[tilespmem:s16+$0xFFFFFFD0] =	vst v2  }
0xc2: {  	v2 =	vld [tilespmem:s15+$0xFFFFFFE0];
	_ =	sdelay $0x4  }
0xc3: {  	v2 =	vmul.f32 v2, v1;
	_ =	sdelay $0x1  }
0xc4: {  	[tilespmem:s16+$0xFFFFFFE0] =	vst v2  }
0xc5: {  	v2 =	vld [tilespmem:s15+$0xFFFFFFF0];
	_ =	sdelay $0x4  }
0xc6: {  	v2 =	vmul.f32 v2, v1;
	_ =	sdelay $0x1  }
0xc7: {  	[tilespmem:s16+$0xFFFFFFF0] =	vst v2  }
0xc8: {  	v2 =	vld [tilespmem:s15+$0x0];
	_ =	sdelay $0x4  }
0xc9: {  	v2 =	vmul.f32 v2, v1;
	_ =	sdelay $0x1  }
0xca: {  	[tilespmem:s16+$0x0] =	vst v2  }
0xcb: {  	v2 =	vld [tilespmem:s15+$0x10];
	_ =	sdelay $0x4  }
0xcc: {  	v2 =	vmul.f32 v2, v1;
	_ =	sdelay $0x1  }
0xcd: {  	[tilespmem:s16+$0x10] =	vst v2  }
0xce: {  	v2 =	vld [tilespmem:s15+$0x20];
	_ =	sdelay $0x4  }
0xcf: {  	v2 =	vmul.f32 v2, v1;
	_ =	sdelay $0x1  }
.Ltmp1:
0xd0: {  	[tilespmem:s16+$0x20] =	vst v2;
	(pc) =	sbr.rel @p0 .LBB2_5-.Ltmp1, $2  }
0xd1: {  	v2 =	vld [tilespmem:s15+$0x30];
	[tilespmem:s16+$0x40] =	vst v3;
	_ =	sdelay $0x2  }
0xd2: {  	v3 =	vmov s17;
	s17 =	sadd.s32 $0x1, s17  }
0xd3: {  	_ = 	snop  }
0xd4: {  	v1 =	vmul.f32 v2, v1;
	_ =	sdelay $0x1  }
0xd5: {  	[tilespmem:s16+$0x30] =	vst v1  }
0xd6: {  	s15 =	sadd.s32 $0x80, s15;
	v1 =	vld.idx.msk [tilespmem:v3+s4+$0x0], $0xffff  }
0xd7: {  	v2 =	vld [tilespmem:s15+$0xFFFFFFC0];
	_ =	sdelay $0x4  }
0xd8: {  	v2 =	vmul.f32 v2, v1  }
0xd9: {  	s17 =	sadd.s32 $0x90, s16  }
0xda: {  	[tilespmem:s17+$0xFFFFFFC0] =	vst v2  }
0xdb: {  	v2 =	vld [tilespmem:s15+$0xFFFFFFD0];
	_ =	sdelay $0x4  }
0xdc: {  	v2 =	vmul.f32 v2, v1;
	_ =	sdelay $0x1  }
0xdd: {  	[tilespmem:s17+$0xFFFFFFD0] =	vst v2  }
0xde: {  	v2 =	vld [tilespmem:s15+$0xFFFFFFE0];
	_ =	sdelay $0x4  }
0xdf: {  	v2 =	vmul.f32 v2, v1;
	_ =	sdelay $0x1  }
0xe0: {  	[tilespmem:s17+$0xFFFFFFE0] =	vst v2  }
0xe1: {  	v2 =	vld [tilespmem:s15+$0xFFFFFFF0];
	_ =	sdelay $0x4  }
0xe2: {  	v2 =	vmul.f32 v2, v1;
	_ =	sdelay $0x1  }
0xe3: {  	[tilespmem:s17+$0xFFFFFFF0] =	vst v2  }
0xe4: {  	v2 =	vld [tilespmem:s15+$0x0];
	_ =	sdelay $0x4  }
0xe5: {  	v2 =	vmul.f32 v2, v1;
	_ =	sdelay $0x1  }
0xe6: {  	[tilespmem:s17+$0x0] =	vst v2  }
0xe7: {  	v2 =	vld [tilespmem:s15+$0x10];
	_ =	sdelay $0x4  }
0xe8: {  	v2 =	vmul.f32 v2, v1;
	_ =	sdelay $0x1  }
0xe9: {  	[tilespmem:s17+$0x10] =	vst v2  }
0xea: {  	v2 =	vld [tilespmem:s15+$0x20];
	_ =	sdelay $0x4  }
0xeb: {  	v2 =	vmul.f32 v2, v1;
	_ =	sdelay $0x1  }
0xec: {  	[tilespmem:s17+$0x20] =	vst v2  }
0xed: {  	v2 =	vld [tilespmem:s15+$0x30];
	_ =	sdelay $0x4  }
0xee: {  	s14 =	sadd.s32 $0x1, s14;
	v3 =	vnsel vm0, $0x0, v1;
	v1 =	vmul.f32 v2, v1  }
0xef: {  	p0 =	sne.s32 s14, $0x9C;
	[tilespmem:s17+$0x40] =	vst v3  }
.Ltmp2:
0xf0: {  	[tilespmem:s17+$0x30] =	vst v1;
	(pc) =	sbr.rel @p0 .LBB2_4-.Ltmp2, $4  }
0xf1: {  	[spmem:s2] =	stream.indirect.scatter.add.f32 [tilespmem:s28], [sflag:$0x2], $0x90, s30, s31, $0xb8;
	[tilespmem:$0x1F290] =	vst v63  }
0xf2: {  	_ =	swait.ge [sflag:s24], $0x2400  }
0xf3: {  	[sflag:s24] =	ssyncset.done $0x0  }
0xf4: {  	[sflag:s24] =	ssyncadd.s32 $0xFFFFDC00  }
0xf5: {  	s13 =	simm.s32 $0x0;
	s14 =	rddreg [dreg:$0x7]  }
0xf6: {  	[tilespmem:s7], [sflag:$0x2] =	stream.linear.gather [hbm4b:s14+s13], $0x10, $0x38;
	[tilespmem:$0x1F290] =	vst v63  }
0xf7: {  	_ =	swait.ge [sflag:s24], $0x10  }
0xf8: {  	[sflag:s24] =	ssyncset.done $0x0  }
0xf9: {  	s17 =	rddreg [dreg:$0x8];
	[sflag:s24] =	ssyncadd.s32 $0xFFFFFFF0  }
0xfa: {  	[tilespmem:s8], [sflag:$0x2] =	stream.linear.gather [hbm4b:s17+s13], $0x10, $0x38;
	[tilespmem:$0x1F290] =	vst v63  }
0xfb: {  	_ =	swait.ge [sflag:s24], $0x10  }
0xfc: {  	[sflag:s24] =	ssyncset.done $0x0  }
0xfd: {  	[sflag:s24] =	ssyncadd.s32 $0xFFFFFFF0  }
0xfe: {  	[tilespmem:s0], [sflag:$0x1] =	stream.indirect.gather [hbm4b:s1+s11], $0x80, s7, s11, $0xb8;
	[tilespmem:$0x1F290] =	vst v63  }
0xff: {  	v1 =	vld [tilespmem:$0x4EA0]  }
0x100: {  	v2 =	vld [tilespmem:$0x4EB0];
	_ =	sdelay $0x6  }
0x101: {  	v1 =	vld.idx.msk [tilespmem:v1+s13+$0x0], $0xffff  }
0x102: {  	v2 =	vld.idx.msk [tilespmem:v2+s26+$0x0], $0xffff;
	_ =	sdelay $0x4  }
0x103: {  	v1 =	vadd.f32 v2, v1;
	_ =	sdelay $0x1  }
0x104: {  	v2 =	vmul.f32 $2.000000030e-01, v1  }
0x105: {  	vm1 =	vgt.f32 v1, $0.0e+00  }
0x106: {  	v1 =	vsel vm1, v1, v2  }
0x107: {  	v1 =	vmul.f32 $1.442695020e+00, v1;
	_ =	sdelay $0x1  }
0x108: {  	(erf) = vpow2.f32 v1;
	_ =	sdelay $0x8  }
0x109: {  	v2 =	vmov s13;
	v1 =	vpop (erf)  }
0x10a: {  	[tilespmem:$0x4EC0] =	vst v1  }
0x10b: {  	_ =	swait.ge [sflag:s3], $0x800  }
0x10c: {  	[sflag:s3] =	ssyncset.done $0x0  }
0x10d: {  	[sflag:s3] =	ssyncadd.s32 $0xFFFFF800  }
0x10e: {  	s13 =	simm.s32 $0x4F40;
	v1 =	vld.idx.msk [tilespmem:v2+s4+$0x0], $0xffff  }
0x10f: {  	v2 =	vld [tilespmem:s13+$0xFFFFFFC0];
	_ =	sdelay $0x4  }
0x110: {  	v2 =	vmul.f32 v2, v1  }
0x111: {  	s14 =	simm.s32 $0x6F40  }
0x112: {  	[tilespmem:s14+$0xFFFFFFC0] =	vst v2  }
0x113: {  	v2 =	vld [tilespmem:s13+$0xFFFFFFD0];
	_ =	sdelay $0x4  }
0x114: {  	v2 =	vmul.f32 v2, v1;
	_ =	sdelay $0x1  }
0x115: {  	[tilespmem:s14+$0xFFFFFFD0] =	vst v2  }
0x116: {  	v2 =	vld [tilespmem:s13+$0xFFFFFFE0];
	_ =	sdelay $0x4  }
0x117: {  	v2 =	vmul.f32 v2, v1;
	_ =	sdelay $0x1  }
0x118: {  	[tilespmem:s14+$0xFFFFFFE0] =	vst v2  }
0x119: {  	v2 =	vld [tilespmem:s13+$0xFFFFFFF0];
	_ =	sdelay $0x4  }
0x11a: {  	v2 =	vmul.f32 v2, v1;
	_ =	sdelay $0x1  }
0x11b: {  	[tilespmem:s14+$0xFFFFFFF0] =	vst v2  }
0x11c: {  	v2 =	vld [tilespmem:s13+$0x0];
	_ =	sdelay $0x4  }
0x11d: {  	v2 =	vmul.f32 v2, v1;
	_ =	sdelay $0x1  }
0x11e: {  	[tilespmem:s14+$0x0] =	vst v2  }
0x11f: {  	v2 =	vld [tilespmem:s13+$0x10];
	_ =	sdelay $0x4  }
0x120: {  	v2 =	vmul.f32 v2, v1;
	_ =	sdelay $0x1  }
0x121: {  	[tilespmem:s14+$0x10] =	vst v2  }
0x122: {  	v2 =	vld [tilespmem:s13+$0x20];
	_ =	sdelay $0x4  }
0x123: {  	v2 =	vmul.f32 v2, v1;
	_ =	sdelay $0x1  }
0x124: {  	[tilespmem:s14+$0x20] =	vst v2  }
0x125: {  	v2 =	vld [tilespmem:s13+$0x30];
	_ =	sdelay $0x1  }
0x126: {  	s15 =	simm.s32 $0x1;
	v3 =	vnsel vm0, $0x0, v1  }
0x127: {  	[tilespmem:s14+$0x40] =	vst v3;
	v3 =	vmov s15;
	s15 =	simm.s32 $0x2  }
.LBB2_8:
0x128: {  	p0 =	sne.s32 s15, $0xF  }
0x129: {  	v1 =	vmul.f32 v2, v1;
	_ =	sdelay $0x1  }
0x12a: {  	[tilespmem:s14+$0x30] =	vst v1  }
0x12b: {  	s13 =	sadd.s32 $0x80, s13;
	v1 =	vld.idx.msk [tilespmem:v3+s4+$0x0], $0xffff  }
0x12c: {  	v2 =	vld [tilespmem:s13+$0xFFFFFFC0];
	_ =	sdelay $0x4  }
0x12d: {  	v3 =	vnsel vm0, $0x0, v1;
	v2 =	vmul.f32 v2, v1  }
0x12e: {  	s14 =	sadd.s32 $0x90, s14  }
0x12f: {  	[tilespmem:s14+$0xFFFFFFC0] =	vst v2  }
0x130: {  	v2 =	vld [tilespmem:s13+$0xFFFFFFD0];
	_ =	sdelay $0x4  }
0x131: {  	v2 =	vmul.f32 v2, v1;
	_ =	sdelay $0x1  }
0x132: {  	[tilespmem:s14+$0xFFFFFFD0] =	vst v2  }
0x133: {  	v2 =	vld [tilespmem:s13+$0xFFFFFFE0];
	_ =	sdelay $0x4  }
0x134: {  	v2 =	vmul.f32 v2, v1;
	_ =	sdelay $0x1  }
0x135: {  	[tilespmem:s14+$0xFFFFFFE0] =	vst v2  }
0x136: {  	v2 =	vld [tilespmem:s13+$0xFFFFFFF0];
	_ =	sdelay $0x4  }
0x137: {  	v2 =	vmul.f32 v2, v1;
	_ =	sdelay $0x1  }
0x138: {  	[tilespmem:s14+$0xFFFFFFF0] =	vst v2  }
0x139: {  	v2 =	vld [tilespmem:s13+$0x0];
	_ =	sdelay $0x4  }
0x13a: {  	v2 =	vmul.f32 v2, v1;
	_ =	sdelay $0x1  }
0x13b: {  	[tilespmem:s14+$0x0] =	vst v2  }
0x13c: {  	v2 =	vld [tilespmem:s13+$0x10];
	_ =	sdelay $0x4  }
0x13d: {  	v2 =	vmul.f32 v2, v1;
	_ =	sdelay $0x1  }
0x13e: {  	[tilespmem:s14+$0x10] =	vst v2  }
0x13f: {  	v2 =	vld [tilespmem:s13+$0x20];
	_ =	sdelay $0x4  }
0x140: {  	v2 =	vmul.f32 v2, v1;
	_ =	sdelay $0x1  }
.Ltmp3:
0x141: {  	[tilespmem:s14+$0x20] =	vst v2;
	(pc) =	sbr.rel @p0 .LBB2_8-.Ltmp3, $2  }
0x142: {  	v2 =	vld [tilespmem:s13+$0x30];
	[tilespmem:s14+$0x40] =	vst v3;
	_ =	sdelay $0x2  }
0x143: {  	v3 =	vmov s15;
	s15 =	sadd.s32 $0x1, s15  }
0x144: {  	_ = 	snop  }
0x145: {  	v1 =	vmul.f32 v2, v1;
	_ =	sdelay $0x1  }
0x146: {  	[tilespmem:s14+$0x30] =	vst v1  }
0x147: {  	s13 =	sadd.s32 $0x80, s13;
	v1 =	vld.idx.msk [tilespmem:v3+s4+$0x0], $0xffff  }
0x148: {  	v2 =	vld [tilespmem:s13+$0xFFFFFFC0];
	_ =	sdelay $0x4  }
0x149: {  	v2 =	vmul.f32 v2, v1  }
0x14a: {  	s17 =	sadd.s32 $0x90, s14  }
0x14b: {  	[tilespmem:s17+$0xFFFFFFC0] =	vst v2  }
0x14c: {  	v2 =	vld [tilespmem:s13+$0xFFFFFFD0];
	_ =	sdelay $0x4  }
0x14d: {  	v2 =	vmul.f32 v2, v1;
	_ =	sdelay $0x1  }
0x14e: {  	[tilespmem:s17+$0xFFFFFFD0] =	vst v2  }
0x14f: {  	v2 =	vld [tilespmem:s13+$0xFFFFFFE0];
	_ =	sdelay $0x4  }
0x150: {  	v2 =	vmul.f32 v2, v1;
	_ =	sdelay $0x1  }
0x151: {  	[tilespmem:s17+$0xFFFFFFE0] =	vst v2  }
0x152: {  	v2 =	vld [tilespmem:s13+$0xFFFFFFF0];
	_ =	sdelay $0x4  }
0x153: {  	v2 =	vmul.f32 v2, v1;
	_ =	sdelay $0x1  }
0x154: {  	[tilespmem:s17+$0xFFFFFFF0] =	vst v2  }
0x155: {  	v2 =	vld [tilespmem:s13+$0x0];
	_ =	sdelay $0x4  }
0x156: {  	v2 =	vmul.f32 v2, v1;
	_ =	sdelay $0x1  }
0x157: {  	[tilespmem:s17+$0x0] =	vst v2  }
0x158: {  	v2 =	vld [tilespmem:s13+$0x10];
	_ =	sdelay $0x4  }
0x159: {  	v2 =	vmul.f32 v2, v1;
	_ =	sdelay $0x1  }
0x15a: {  	[tilespmem:s17+$0x10] =	vst v2  }
0x15b: {  	v2 =	vld [tilespmem:s13+$0x20];
	_ =	sdelay $0x4  }
0x15c: {  	v2 =	vmul.f32 v2, v1;
	_ =	sdelay $0x1  }
0x15d: {  	[tilespmem:s17+$0x20] =	vst v2  }
0x15e: {  	v2 =	vld [tilespmem:s13+$0x30];
	_ =	sdelay $0x4  }
0x15f: {  	v3 =	vnsel vm0, $0x0, v1;
	v1 =	vmul.f32 v2, v1  }
0x160: {  	[tilespmem:s17+$0x40] =	vst v3  }
0x161: {  	[tilespmem:s17+$0x30] =	vst v1  }
0x162: {  	[spmem:s2] =	stream.indirect.scatter.add.f32 [tilespmem:s28], [sflag:$0x2], $0x90, s8, s11, $0xb8;
	[tilespmem:$0x1F290] =	vst v63  }
0x163: {  	_ =	swait.ge [sflag:s24], $0x900  }
0x164: {  	[sflag:s24] =	ssyncset.done $0x0  }
0x165: {  	s15 =	stileid.u32;
	[sflag:s24] =	ssyncadd.s32 $0xFFFFF700  }
0x166: {  	s13 =	sshll.u32 s15, $0x6;
	[bflag:$0x0] =	sbarrier.arrive $0xFFFF  }
0x167: {  	s13 =	sor.u32 $0x1C02, s13;
	s16 =	rddreg [dreg:$0x9]  }
0x168: {  	[hbm:s16], [sflag:s13] =	dma.local [spmem:s25], $0x2BF2  }
0x169: {  	_ =	swait.ge [sflag:s24], $0x2BF2  }
0x16a: {  	s12 =	sadd.s32 $0x1, s12;
	s17 =	rddreg [dreg:$0xa]  }
0x16b: {  	p0 =	sne.s32 s12, s17  }
.Ltmp4:
0x16c: {  	_ = 	snop;
	(pc) =	sbr.rel @p0 .LBB2_1-.Ltmp4, $3  }
0x16d: {  	_ =	sdelay $0x1  }
0x16e: {  	[sflag:s24] =	ssyncset.done $0x0  }
0x16f: {  	[sflag:s24] =	ssyncadd.s32 $0xFFFFD40E  }
0x170: {  	_ =	sfence.sel $0x180000  }
0x171: {  	[bflag:$0x0] =	sbarrier.arrive $0xFFFF  }
0x172: {  	_ =	strace $0x90000047  }
0x173: {  	s0 =	stileid.u32;
	[bflag:$0x2] =	sbarrier.arrive $0xFFFF  }
0x174: {  	p0 =	sne.s32 s0, $0x0;
	s0 =	rddreg [dreg:$0x3]  }
0x175: {  	s0 =	sadd.s32 @!p0 $0x100000, s0  }
0x176: {  	[sflag:s0] =	ssyncadd.tile.s32 @!p0 $0x1;
	_ =	shalt  }
.Lfunc_end2:
_tile_overlayer_lowered:
.L_overlay_start_2:
0x177: {  	(tag) =	ssettag $0x2  }
0x178: {  	s0 =	rddreg [dreg:$0x0];
	s2 =	stileid.u32  }
0x179: {  	s1 =	rddreg [dreg:$0x1];
	p0 =	sne.s32 s2, $0x0  }
0x17a: {  	s3 =	rddreg [dreg:$0x2];
	[bflag:$0x3] =	sbarrier.arrive $0xFFFF;
	s2 =	simm.s32 @!p0 $0x1C02  }
0x17b: {  	[timem:s3], [sflag:s2] =	dma.local @!p0 [hbm:s0], s1  }
0x17c: {  	s0 =	simm.s32 @!p0 $0x2  }
0x17d: {  	_ =	swait.ge @!p0 [sflag:s0], s1  }
0x17e: {  	s1 =	ssub.s32 @!p0 $0x0, s1;
	[sflag:s0] =	ssyncset.done @!p0 $0x0  }
0x17f: {  	[sflag:s0] =	ssyncadd.s32 @!p0 s1  }
0x180: {  	[bflag:$0x3] =	sbarrier.arrive $0xFFFF  }
0x181: {  	_ =	shalt  }

</sc_bundles>
